<compile_context>
chip_gen: v7x
topology: tpu7x:2x2x1
jax: 0.10.2.dev20260603
libtpu: 0.0.44.dev20260713+nightly
codegen_flags: <defaults>
</compile_context>

<pallas_src>
import functools

import jax
import jax.numpy as jnp
from jax import lax
from jax.experimental import pallas as pl
from jax.experimental.pallas import tpu as pltpu
from jax.experimental.pallas import tpu_sc as plsc

NUM_FIELDS = 26
VOCAB = 100000
EMBED_DIM = 32
DENSE_DIM = 13
BATCH = 16384
CONCAT = NUM_FIELDS * EMBED_DIM
CPAD = 896
NBANDS = BATCH // 8

NC, NS = 2, 16
NW = NC * NS
BANDS_PER_W = NBANDS // NW
CHUNK_BANDS = 8
N_CHUNKS = BANDS_PER_W // CHUNK_BANDS
IDX_MINOR = 128


def _sc_gather(sidx, tbl, n_tiles):
    rows_per_w = BANDS_PER_W * n_tiles * 32
    rows_per_chunk = rows_per_w // N_CHUNKS
    idx_rows_per_chunk = rows_per_chunk // IDX_MINOR
    idx_rows_per_w = rows_per_w // IDX_MINOR
    total_rows = NBANDS * n_tiles * 32
    mesh = plsc.VectorSubcoreMesh(core_axis_name="c", subcore_axis_name="s")

    @functools.partial(
        pl.kernel,
        mesh=mesh,
        out_type=jax.ShapeDtypeStruct((total_rows, EMBED_DIM), jnp.float32),
        compiler_params=pltpu.CompilerParams(use_tc_tiling_on_sc=False),
        scratch_types=[
            pltpu.VMEM((idx_rows_per_w, IDX_MINOR), jnp.int32),
            pltpu.VMEM((rows_per_chunk, EMBED_DIM), jnp.float32),
            pltpu.SemaphoreType.DMA,
        ],
    )
    def gather_kernel(sidx_hbm, tbl_hbm, out_hbm, idx_v, rows_v, sem):
        wid = lax.axis_index("s") * NC + lax.axis_index("c")
        pltpu.sync_copy(
            sidx_hbm.at[pl.ds(wid * idx_rows_per_w, idx_rows_per_w)], idx_v)

        def chunk_body(c, carry):
            cps = [
                pltpu.async_copy(
                    tbl_hbm.at[idx_v.at[c * idx_rows_per_chunk + j]],
                    rows_v.at[pl.ds(j * IDX_MINOR, IDX_MINOR)],
                    sem,
                )
                for j in range(idx_rows_per_chunk)
            ]
            for cp in cps:
                cp.wait()
            pltpu.sync_copy(
                rows_v,
                out_hbm.at[pl.ds(wid * rows_per_w + c * rows_per_chunk,
                                 rows_per_chunk)],
            )
            return carry

        lax.fori_loop(0, N_CHUNKS, chunk_body, 0)

    return gather_kernel(sidx, tbl)


def _dense_body(dx_ref, ga_ref, gb_ref, w1_ref, b1_ref, w2_ref, b2_ref,
                w3p_ref, w3b_ref, b3_ref, w4_ref, b4_ref, out_ref):
    h = jnp.maximum(
        jnp.dot(dx_ref[...], w1_ref[...], preferred_element_type=jnp.float32)
        + b1_ref[...], 0.0)
    d = jnp.dot(h, w2_ref[...], preferred_element_type=jnp.float32) + b2_ref[...]
    t = (jnp.dot(d, w3b_ref[...], preferred_element_type=jnp.float32)
         + b3_ref[...])
    for j in range(7):
        mj = (ga_ref[:, j] if j < 4 else gb_ref[:, j - 4]).reshape(_BT, 128)
        t = t + jnp.dot(mj, w3p_ref[j * 128:(j + 1) * 128, :],
                        preferred_element_type=jnp.float32)
    h2 = jnp.maximum(t, 0.0)
    z = jnp.dot(h2, w4_ref[...], preferred_element_type=jnp.float32) + b4_ref[...]
    out_ref[...] = 1.0 / (1.0 + jnp.exp(-z))


_BT = 2048


def _dense_forward(dense_x, ga, gb, W1, b1, W2, b2, W3p, W3b, b3, W4, b4):
    fixed = lambda t: (0, 0)
    tiled = lambda t: (t, 0)
    return pl.pallas_call(
        _dense_body,
        grid=(BATCH // _BT,),
        in_specs=[
            pl.BlockSpec((_BT, DENSE_DIM), tiled),
            pl.BlockSpec((_BT // 8, 4, 8, 128), lambda t: (t, 0, 0, 0)),
            pl.BlockSpec((_BT // 8, 3, 8, 128), lambda t: (t, 0, 0, 0)),
            pl.BlockSpec((DENSE_DIM, 8), fixed),
            pl.BlockSpec((1, 8), fixed),
            pl.BlockSpec((8, EMBED_DIM), fixed),
            pl.BlockSpec((1, EMBED_DIM), fixed),
            pl.BlockSpec((CPAD, 16), fixed),
            pl.BlockSpec((EMBED_DIM, 16), fixed),
            pl.BlockSpec((1, 16), fixed),
            pl.BlockSpec((16, 1), fixed),
            pl.BlockSpec((1, 1), fixed),
        ],
        out_specs=pl.BlockSpec((_BT, 1), tiled),
        out_shape=jax.ShapeDtypeStruct((BATCH, 1), jnp.float32),
    )(dense_x, ga, gb, W1, b1, W2, b2, W3p, W3b, b3, W4, b4)


def kernel(dense_x, sparse_x, emb_tables, W1, b1, W2, b2, W3, b3, W4, b4):
    offs = (jnp.arange(NUM_FIELDS, dtype=jnp.int32) * VOCAB)[None, :]
    fidx = sparse_x + offs

    ka = fidx[:, :16].reshape(NBANDS, 8, 4, 4).transpose(0, 2, 1, 3)
    ka = ka.reshape(NBANDS * 4 * 32 // 128, 128)
    fb = fidx[:, 16:] - 16 * VOCAB
    kb = jnp.concatenate([fb, fb[:, :2]], axis=1)
    kb = kb.reshape(NBANDS, 8, 3, 4).transpose(0, 2, 1, 3)
    kb = kb.reshape(NBANDS * 3 * 32 // 128, 128)

    tbl_a = emb_tables[:16].reshape(16 * VOCAB, EMBED_DIM)
    tbl_b = emb_tables[16:].reshape(10 * VOCAB, EMBED_DIM)

    ga = _sc_gather(ka, tbl_a, 4).reshape(NBANDS, 4, 8, 128)
    gb = _sc_gather(kb, tbl_b, 3).reshape(NBANDS, 3, 8, 128)

    w3a = W3[:CONCAT].reshape(NUM_FIELDS, EMBED_DIM, 16)
    w3p = jnp.zeros((7, 4, EMBED_DIM, 16), jnp.float32)
    w3p = w3p.at[:6].set(w3a[:24].reshape(6, 4, EMBED_DIM, 16))
    w3p = w3p.at[6, :2].set(w3a[24:26])
    w3p = w3p.reshape(CPAD, 16)
    return _dense_forward(
        dense_x, ga, gb, W1, b1.reshape(1, 8), W2, b2.reshape(1, EMBED_DIM),
        w3p, W3[CONCAT:], b3.reshape(1, 16), W4, b4.reshape(1, 1))

# --- scband reference (transcript-rebuilt; emitter-appended) ---
"""Pipeline reference for scband-dlrm-23295902614210 (READ-ONLY COPY).

The authoritative reference and input builder live on the scoring server;
editing this copy changes nothing except your own understanding.
"""

import jax, jax.numpy as jnp
import numpy as np

NUM_FIELDS = 26
VOCAB = 100000
EMBED_DIM = 32
DENSE_DIM = 13
BATCH = 16384

def setup_inputs(seed: int = 0) -> dict:
    key = jax.random.key(seed)
    ks = jax.random.split(key, 12)
    dense_x = jax.random.normal(ks[0], (BATCH, DENSE_DIM), dtype=jnp.float32)
    sparse_x = jax.random.randint(ks[1], (BATCH, NUM_FIELDS), 0, VOCAB, dtype=jnp.int32)
    emb_tables = jax.random.normal(ks[2], (NUM_FIELDS, VOCAB, EMBED_DIM), dtype=jnp.float32) * 0.01
    W1 = jax.random.normal(ks[3], (DENSE_DIM, 8), dtype=jnp.float32) * (1.0 / np.sqrt(DENSE_DIM))
    b1 = jnp.zeros((8,), dtype=jnp.float32)
    W2 = jax.random.normal(ks[4], (8, EMBED_DIM), dtype=jnp.float32) * (1.0 / np.sqrt(8))
    b2 = jnp.zeros((EMBED_DIM,), dtype=jnp.float32)
    top_in = EMBED_DIM * NUM_FIELDS + EMBED_DIM
    W3 = jax.random.normal(ks[5], (top_in, 16), dtype=jnp.float32) * (1.0 / np.sqrt(top_in))
    b3 = jnp.zeros((16,), dtype=jnp.float32)
    W4 = jax.random.normal(ks[6], (16, 1), dtype=jnp.float32) * (1.0 / np.sqrt(16))
    b4 = jnp.zeros((1,), dtype=jnp.float32)
    return {"dense_x": dense_x, "sparse_x": sparse_x, "emb_tables": emb_tables,
            "W1": W1, "b1": b1, "W2": W2, "b2": b2, "W3": W3, "b3": b3, "W4": W4, "b4": b4}

def reference(dense_x, sparse_x, emb_tables, W1, b1, W2, b2, W3, b3, W4, b4):
    # bottom MLP on dense features
    h = jnp.maximum(dense_x @ W1 + b1, 0.0)
    dense_out = h @ W2 + b2
    # per-field embedding lookups (SparseCore gather)
    sparse_outs = [jnp.take(emb_tables[i], sparse_x[:, i], axis=0) for i in range(NUM_FIELDS)]
    interaction = jnp.concatenate(sparse_outs + [dense_out], axis=1)
    # top MLP
    h2 = jnp.maximum(interaction @ W3 + b3, 0.0)
    out = jax.nn.sigmoid(h2 @ W4 + b4)
    return out

if __name__ == "__main__":
    import jax
    _d = setup_inputs()
    print(jax.jit(kernel)(*tuple(_d.values())))

</pallas_src>

<mosaic_0001>
#map = affine_map<(d0, d1) -> (0, 0)>
module attributes {stable_mosaic.version = 14 : i64} {
  func.func @gather_kernel(%arg0: i32, %arg1: i32, %arg2: memref<1536x128xi32, #tpu.memory_space<hbm>>, %arg3: memref<1000000x32xf32, #tpu.memory_space<hbm>>, %arg4: memref<196608x32xf32, #tpu.memory_space<hbm>>, %arg5: memref<48x128xi32, #tpu.memory_space<vmem>>, %arg6: memref<768x32xf32, #tpu.memory_space<vmem>>, %arg7: memref<!tpu.dma_semaphore, #tpu.memory_space<semaphore_mem>>) attributes {dimension_semantics = [#tpu.dimension_semantics<core_parallel>, #tpu.dimension_semantics<subcore_parallel>], iteration_bounds = array<i64: 2, 16>, scalar_prefetch = 0 : i64, scratch_operands = 3 : i64, tpu.core_type = #tpu.core_type<sc_vector_subcore>, window_params = [{transform_indices = #map}, {transform_indices = #map}, {transform_indices = #map}]} {
    %mul3A = arith.constant 2 : i32
    %mul3A_0 = arith.muli %arg1, %mul3A : i32
    %add3A = arith.addi %mul3A_0, %arg0 : i32
    %mul3A_1 = arith.constant 48 : i32
    %mul3A_2 = arith.muli %add3A, %mul3A_1 : i32
    "tpu.region"() ({
      %run_scoped3A = tpu.sem_alloc : memref<!tpu.dma_semaphore, #tpu.memory_space<semaphore_mem>>
      %dma_start3A = arith.constant 0 : i32
      %dma_start3A_8 = tpu.memref_slice %arg2[%mul3A_2, %dma_start3A] : memref<1536x128xi32, #tpu.memory_space<hbm>> -> memref<48x128xi32, #tpu.memory_space<hbm>>
      %dma_start3A_9 = arith.constant 0 : i32
      %dma_start3A_10 = tpu.memref_slice %arg2[%mul3A_2, %dma_start3A_9] : memref<1536x128xi32, #tpu.memory_space<hbm>> -> memref<48x128xi32, #tpu.memory_space<hbm>>
      tpu.enqueue_dma source(%dma_start3A_10 : memref<48x128xi32, #tpu.memory_space<hbm>>) target(%arg5 : memref<48x128xi32, #tpu.memory_space<vmem>>) target_semaphore(%run_scoped3A : memref<!tpu.dma_semaphore, #tpu.memory_space<semaphore_mem>>)
      %dma_wait3A = arith.constant 0 : i32
      %dma_wait3A_11 = tpu.memref_slice %arg2[%mul3A_2, %dma_wait3A] : memref<1536x128xi32, #tpu.memory_space<hbm>> -> memref<48x128xi32, #tpu.memory_space<hbm>>
      %dma_wait3A_12 = arith.constant 0 : i32
      %dma_wait3A_13 = tpu.memref_slice %arg2[%mul3A_2, %dma_wait3A_12] : memref<1536x128xi32, #tpu.memory_space<hbm>> -> memref<48x128xi32, #tpu.memory_space<hbm>>
      tpu.wait_dma2 semaphore(%run_scoped3A : memref<!tpu.dma_semaphore, #tpu.memory_space<semaphore_mem>>) src(%dma_wait3A_13 : memref<48x128xi32, #tpu.memory_space<hbm>>) dst(%arg5 : memref<48x128xi32, #tpu.memory_space<vmem>>)
      tpu.yield
    }) : () -> ()
    %scan3A = arith.constant 0 : i32
    %scan3A_3 = arith.constant 0 : i32
    %scan3A_4 = arith.constant 8 : i32
    %scan3A_5 = arith.addi %scan3A_3, %scan3A_4 : i32
    %scan3A_6 = arith.constant 1 : i32
    scf.for %scan3A_8 = %scan3A_3 to %scan3A_5 step %scan3A_6  : i32 {
      %mul3A_9 = arith.constant 6 : i32
      %mul3A_10 = arith.muli %scan3A_8, %mul3A_9 : i32
      %add3A_11 = arith.constant 0 : i32
      %add3A_12 = arith.addi %mul3A_10, %add3A_11 : i32
      %dma_start3A = arith.constant 0 : i32
      %dma_start3A_13 = arith.constant 0 : i32
      %dma_start3A_14 = tpu.memref_slice %arg6[%dma_start3A, %dma_start3A_13] : memref<768x32xf32, #tpu.memory_space<vmem>> -> memref<128x32xf32, #tpu.memory_space<vmem>>
      %dma_start3A_15 = arith.constant 0 : i32
      %dma_start3A_16 = tpu.memref_slice %arg5[%add3A_12, %dma_start3A_15] : memref<48x128xi32, #tpu.memory_space<vmem>> -> memref<1x128xi32, #tpu.memory_space<vmem>>
      %dma_start3A_17 = tpu.memref_squeeze %dma_start3A_16 : memref<1x128xi32, #tpu.memory_space<vmem>> -> memref<128xi32, #tpu.memory_space<vmem>>
      %dma_start3A_18 = arith.constant 0 : i32
      %dma_start3A_19 = arith.constant 0 : i32
      %dma_start3A_20 = tpu.memref_slice %arg3[%dma_start3A_18, %dma_start3A_19] : memref<1000000x32xf32, #tpu.memory_space<hbm>> -> memref<1000000x32xf32, #tpu.memory_space<hbm>>
      tpu.enqueue_indirect_dma source(%dma_start3A_20 : memref<1000000x32xf32, #tpu.memory_space<hbm>>) target(%dma_start3A_14 : memref<128x32xf32, #tpu.memory_space<vmem>>) offsets(%dma_start3A_17 : memref<128xi32, #tpu.memory_space<vmem>>) semaphore(%arg7 : memref<!tpu.dma_semaphore, #tpu.memory_space<semaphore_mem>>)
      %mul3A_21 = arith.constant 6 : i32
      %mul3A_22 = arith.muli %scan3A_8, %mul3A_21 : i32
      %add3A_23 = arith.constant 1 : i32
      %add3A_24 = arith.addi %mul3A_22, %add3A_23 : i32
      %dma_start3A_25 = arith.constant 128 : i32
      %dma_start3A_26 = arith.constant 0 : i32
      %dma_start3A_27 = tpu.memref_slice %arg6[%dma_start3A_25, %dma_start3A_26] : memref<768x32xf32, #tpu.memory_space<vmem>> -> memref<128x32xf32, #tpu.memory_space<vmem>>
      %dma_start3A_28 = arith.constant 0 : i32
      %dma_start3A_29 = tpu.memref_slice %arg5[%add3A_24, %dma_start3A_28] : memref<48x128xi32, #tpu.memory_space<vmem>> -> memref<1x128xi32, #tpu.memory_space<vmem>>
      %dma_start3A_30 = tpu.memref_squeeze %dma_start3A_29 : memref<1x128xi32, #tpu.memory_space<vmem>> -> memref<128xi32, #tpu.memory_space<vmem>>
      %dma_start3A_31 = arith.constant 0 : i32
      %dma_start3A_32 = arith.constant 0 : i32
      %dma_start3A_33 = tpu.memref_slice %arg3[%dma_start3A_31, %dma_start3A_32] : memref<1000000x32xf32, #tpu.memory_space<hbm>> -> memref<1000000x32xf32, #tpu.memory_space<hbm>>
      tpu.enqueue_indirect_dma source(%dma_start3A_33 : memref<1000000x32xf32, #tpu.memory_space<hbm>>) target(%dma_start3A_27 : memref<128x32xf32, #tpu.memory_space<vmem>>) offsets(%dma_start3A_30 : memref<128xi32, #tpu.memory_space<vmem>>) semaphore(%arg7 : memref<!tpu.dma_semaphore, #tpu.memory_space<semaphore_mem>>)
      %mul3A_34 = arith.constant 6 : i32
      %mul3A_35 = arith.muli %scan3A_8, %mul3A_34 : i32
      %add3A_36 = arith.constant 2 : i32
      %add3A_37 = arith.addi %mul3A_35, %add3A_36 : i32
      %dma_start3A_38 = arith.constant 256 : i32
      %dma_start3A_39 = arith.constant 0 : i32
      %dma_start3A_40 = tpu.memref_slice %arg6[%dma_start3A_38, %dma_start3A_39] : memref<768x32xf32, #tpu.memory_space<vmem>> -> memref<128x32xf32, #tpu.memory_space<vmem>>
      %dma_start3A_41 = arith.constant 0 : i32
      %dma_start3A_42 = tpu.memref_slice %arg5[%add3A_37, %dma_start3A_41] : memref<48x128xi32, #tpu.memory_space<vmem>> -> memref<1x128xi32, #tpu.memory_space<vmem>>
      %dma_start3A_43 = tpu.memref_squeeze %dma_start3A_42 : memref<1x128xi32, #tpu.memory_space<vmem>> -> memref<128xi32, #tpu.memory_space<vmem>>
      %dma_start3A_44 = arith.constant 0 : i32
      %dma_start3A_45 = arith.constant 0 : i32
      %dma_start3A_46 = tpu.memref_slice %arg3[%dma_start3A_44, %dma_start3A_45] : memref<1000000x32xf32, #tpu.memory_space<hbm>> -> memref<1000000x32xf32, #tpu.memory_space<hbm>>
      tpu.enqueue_indirect_dma source(%dma_start3A_46 : memref<1000000x32xf32, #tpu.memory_space<hbm>>) target(%dma_start3A_40 : memref<128x32xf32, #tpu.memory_space<vmem>>) offsets(%dma_start3A_43 : memref<128xi32, #tpu.memory_space<vmem>>) semaphore(%arg7 : memref<!tpu.dma_semaphore, #tpu.memory_space<semaphore_mem>>)
      %mul3A_47 = arith.constant 6 : i32
      %mul3A_48 = arith.muli %scan3A_8, %mul3A_47 : i32
      %add3A_49 = arith.constant 3 : i32
      %add3A_50 = arith.addi %mul3A_48, %add3A_49 : i32
      %dma_start3A_51 = arith.constant 384 : i32
      %dma_start3A_52 = arith.constant 0 : i32
      %dma_start3A_53 = tpu.memref_slice %arg6[%dma_start3A_51, %dma_start3A_52] : memref<768x32xf32, #tpu.memory_space<vmem>> -> memref<128x32xf32, #tpu.memory_space<vmem>>
      %dma_start3A_54 = arith.constant 0 : i32
      %dma_start3A_55 = tpu.memref_slice %arg5[%add3A_50, %dma_start3A_54] : memref<48x128xi32, #tpu.memory_space<vmem>> -> memref<1x128xi32, #tpu.memory_space<vmem>>
      %dma_start3A_56 = tpu.memref_squeeze %dma_start3A_55 : memref<1x128xi32, #tpu.memory_space<vmem>> -> memref<128xi32, #tpu.memory_space<vmem>>
      %dma_start3A_57 = arith.constant 0 : i32
      %dma_start3A_58 = arith.constant 0 : i32
      %dma_start3A_59 = tpu.memref_slice %arg3[%dma_start3A_57, %dma_start3A_58] : memref<1000000x32xf32, #tpu.memory_space<hbm>> -> memref<1000000x32xf32, #tpu.memory_space<hbm>>
      tpu.enqueue_indirect_dma source(%dma_start3A_59 : memref<1000000x32xf32, #tpu.memory_space<hbm>>) target(%dma_start3A_53 : memref<128x32xf32, #tpu.memory_space<vmem>>) offsets(%dma_start3A_56 : memref<128xi32, #tpu.memory_space<vmem>>) semaphore(%arg7 : memref<!tpu.dma_semaphore, #tpu.memory_space<semaphore_mem>>)
      %mul3A_60 = arith.constant 6 : i32
      %mul3A_61 = arith.muli %scan3A_8, %mul3A_60 : i32
      %add3A_62 = arith.constant 4 : i32
      %add3A_63 = arith.addi %mul3A_61, %add3A_62 : i32
      %dma_start3A_64 = arith.constant 512 : i32
      %dma_start3A_65 = arith.constant 0 : i32
      %dma_start3A_66 = tpu.memref_slice %arg6[%dma_start3A_64, %dma_start3A_65] : memref<768x32xf32, #tpu.memory_space<vmem>> -> memref<128x32xf32, #tpu.memory_space<vmem>>
      %dma_start3A_67 = arith.constant 0 : i32
      %dma_start3A_68 = tpu.memref_slice %arg5[%add3A_63, %dma_start3A_67] : memref<48x128xi32, #tpu.memory_space<vmem>> -> memref<1x128xi32, #tpu.memory_space<vmem>>
      %dma_start3A_69 = tpu.memref_squeeze %dma_start3A_68 : memref<1x128xi32, #tpu.memory_space<vmem>> -> memref<128xi32, #tpu.memory_space<vmem>>
      %dma_start3A_70 = arith.constant 0 : i32
      %dma_start3A_71 = arith.constant 0 : i32
      %dma_start3A_72 = tpu.memref_slice %arg3[%dma_start3A_70, %dma_start3A_71] : memref<1000000x32xf32, #tpu.memory_space<hbm>> -> memref<1000000x32xf32, #tpu.memory_space<hbm>>
      tpu.enqueue_indirect_dma source(%dma_start3A_72 : memref<1000000x32xf32, #tpu.memory_space<hbm>>) target(%dma_start3A_66 : memref<128x32xf32, #tpu.memory_space<vmem>>) offsets(%dma_start3A_69 : memref<128xi32, #tpu.memory_space<vmem>>) semaphore(%arg7 : memref<!tpu.dma_semaphore, #tpu.memory_space<semaphore_mem>>)
      %mul3A_73 = arith.constant 6 : i32
      %mul3A_74 = arith.muli %scan3A_8, %mul3A_73 : i32
      %add3A_75 = arith.constant 5 : i32
      %add3A_76 = arith.addi %mul3A_74, %add3A_75 : i32
      %dma_start3A_77 = arith.constant 640 : i32
      %dma_start3A_78 = arith.constant 0 : i32
      %dma_start3A_79 = tpu.memref_slice %arg6[%dma_start3A_77, %dma_start3A_78] : memref<768x32xf32, #tpu.memory_space<vmem>> -> memref<128x32xf32, #tpu.memory_space<vmem>>
      %dma_start3A_80 = arith.constant 0 : i32
      %dma_start3A_81 = tpu.memref_slice %arg5[%add3A_76, %dma_start3A_80] : memref<48x128xi32, #tpu.memory_space<vmem>> -> memref<1x128xi32, #tpu.memory_space<vmem>>
      %dma_start3A_82 = tpu.memref_squeeze %dma_start3A_81 : memref<1x128xi32, #tpu.memory_space<vmem>> -> memref<128xi32, #tpu.memory_space<vmem>>
      %dma_start3A_83 = arith.constant 0 : i32
      %dma_start3A_84 = arith.constant 0 : i32
      %dma_start3A_85 = tpu.memref_slice %arg3[%dma_start3A_83, %dma_start3A_84] : memref<1000000x32xf32, #tpu.memory_space<hbm>> -> memref<1000000x32xf32, #tpu.memory_space<hbm>>
      tpu.enqueue_indirect_dma source(%dma_start3A_85 : memref<1000000x32xf32, #tpu.memory_space<hbm>>) target(%dma_start3A_79 : memref<128x32xf32, #tpu.memory_space<vmem>>) offsets(%dma_start3A_82 : memref<128xi32, #tpu.memory_space<vmem>>) semaphore(%arg7 : memref<!tpu.dma_semaphore, #tpu.memory_space<semaphore_mem>>)
      %dma_wait3A = arith.constant 0 : i32
      %dma_wait3A_86 = arith.constant 0 : i32
      %dma_wait3A_87 = tpu.memref_slice %arg6[%dma_wait3A, %dma_wait3A_86] : memref<768x32xf32, #tpu.memory_space<vmem>> -> memref<128x32xf32, #tpu.memory_space<vmem>>
      %dma_wait3A_88 = arith.constant 0 : i32
      %dma_wait3A_89 = tpu.memref_slice %arg5[%add3A_12, %dma_wait3A_88] : memref<48x128xi32, #tpu.memory_space<vmem>> -> memref<1x128xi32, #tpu.memory_space<vmem>>
      %dma_wait3A_90 = tpu.memref_squeeze %dma_wait3A_89 : memref<1x128xi32, #tpu.memory_space<vmem>> -> memref<128xi32, #tpu.memory_space<vmem>>
      %dma_wait3A_91 = arith.constant 0 : i32
      %dma_wait3A_92 = arith.constant 0 : i32
      %dma_wait3A_93 = tpu.memref_slice %arg3[%dma_wait3A_91, %dma_wait3A_92] : memref<1000000x32xf32, #tpu.memory_space<hbm>> -> memref<1000000x32xf32, #tpu.memory_space<hbm>>
      tpu.wait_indirect_dma semaphore(%arg7 : memref<!tpu.dma_semaphore, #tpu.memory_space<semaphore_mem>>) src(%dma_wait3A_93 : memref<1000000x32xf32, #tpu.memory_space<hbm>>) dst(%dma_wait3A_87 : memref<128x32xf32, #tpu.memory_space<vmem>>)
      %dma_wait3A_94 = arith.constant 128 : i32
      %dma_wait3A_95 = arith.constant 0 : i32
      %dma_wait3A_96 = tpu.memref_slice %arg6[%dma_wait3A_94, %dma_wait3A_95] : memref<768x32xf32, #tpu.memory_space<vmem>> -> memref<128x32xf32, #tpu.memory_space<vmem>>
      %dma_wait3A_97 = arith.constant 0 : i32
      %dma_wait3A_98 = tpu.memref_slice %arg5[%add3A_24, %dma_wait3A_97] : memref<48x128xi32, #tpu.memory_space<vmem>> -> memref<1x128xi32, #tpu.memory_space<vmem>>
      %dma_wait3A_99 = tpu.memref_squeeze %dma_wait3A_98 : memref<1x128xi32, #tpu.memory_space<vmem>> -> memref<128xi32, #tpu.memory_space<vmem>>
      %dma_wait3A_100 = arith.constant 0 : i32
      %dma_wait3A_101 = arith.constant 0 : i32
      %dma_wait3A_102 = tpu.memref_slice %arg3[%dma_wait3A_100, %dma_wait3A_101] : memref<1000000x32xf32, #tpu.memory_space<hbm>> -> memref<1000000x32xf32, #tpu.memory_space<hbm>>
      tpu.wait_indirect_dma semaphore(%arg7 : memref<!tpu.dma_semaphore, #tpu.memory_space<semaphore_mem>>) src(%dma_wait3A_102 : memref<1000000x32xf32, #tpu.memory_space<hbm>>) dst(%dma_wait3A_96 : memref<128x32xf32, #tpu.memory_space<vmem>>)
      %dma_wait3A_103 = arith.constant 256 : i32
      %dma_wait3A_104 = arith.constant 0 : i32
      %dma_wait3A_105 = tpu.memref_slice %arg6[%dma_wait3A_103, %dma_wait3A_104] : memref<768x32xf32, #tpu.memory_space<vmem>> -> memref<128x32xf32, #tpu.memory_space<vmem>>
      %dma_wait3A_106 = arith.constant 0 : i32
      %dma_wait3A_107 = tpu.memref_slice %arg5[%add3A_37, %dma_wait3A_106] : memref<48x128xi32, #tpu.memory_space<vmem>> -> memref<1x128xi32, #tpu.memory_space<vmem>>
      %dma_wait3A_108 = tpu.memref_squeeze %dma_wait3A_107 : memref<1x128xi32, #tpu.memory_space<vmem>> -> memref<128xi32, #tpu.memory_space<vmem>>
      %dma_wait3A_109 = arith.constant 0 : i32
      %dma_wait3A_110 = arith.constant 0 : i32
      %dma_wait3A_111 = tpu.memref_slice %arg3[%dma_wait3A_109, %dma_wait3A_110] : memref<1000000x32xf32, #tpu.memory_space<hbm>> -> memref<1000000x32xf32, #tpu.memory_space<hbm>>
      tpu.wait_indirect_dma semaphore(%arg7 : memref<!tpu.dma_semaphore, #tpu.memory_space<semaphore_mem>>) src(%dma_wait3A_111 : memref<1000000x32xf32, #tpu.memory_space<hbm>>) dst(%dma_wait3A_105 : memref<128x32xf32, #tpu.memory_space<vmem>>)
      %dma_wait3A_112 = arith.constant 384 : i32
      %dma_wait3A_113 = arith.constant 0 : i32
      %dma_wait3A_114 = tpu.memref_slice %arg6[%dma_wait3A_112, %dma_wait3A_113] : memref<768x32xf32, #tpu.memory_space<vmem>> -> memref<128x32xf32, #tpu.memory_space<vmem>>
      %dma_wait3A_115 = arith.constant 0 : i32
      %dma_wait3A_116 = tpu.memref_slice %arg5[%add3A_50, %dma_wait3A_115] : memref<48x128xi32, #tpu.memory_space<vmem>> -> memref<1x128xi32, #tpu.memory_space<vmem>>
      %dma_wait3A_117 = tpu.memref_squeeze %dma_wait3A_116 : memref<1x128xi32, #tpu.memory_space<vmem>> -> memref<128xi32, #tpu.memory_space<vmem>>
      %dma_wait3A_118 = arith.constant 0 : i32
      %dma_wait3A_119 = arith.constant 0 : i32
      %dma_wait3A_120 = tpu.memref_slice %arg3[%dma_wait3A_118, %dma_wait3A_119] : memref<1000000x32xf32, #tpu.memory_space<hbm>> -> memref<1000000x32xf32, #tpu.memory_space<hbm>>
      tpu.wait_indirect_dma semaphore(%arg7 : memref<!tpu.dma_semaphore, #tpu.memory_space<semaphore_mem>>) src(%dma_wait3A_120 : memref<1000000x32xf32, #tpu.memory_space<hbm>>) dst(%dma_wait3A_114 : memref<128x32xf32, #tpu.memory_space<vmem>>)
      %dma_wait3A_121 = arith.constant 512 : i32
      %dma_wait3A_122 = arith.constant 0 : i32
      %dma_wait3A_123 = tpu.memref_slice %arg6[%dma_wait3A_121, %dma_wait3A_122] : memref<768x32xf32, #tpu.memory_space<vmem>> -> memref<128x32xf32, #tpu.memory_space<vmem>>
      %dma_wait3A_124 = arith.constant 0 : i32
      %dma_wait3A_125 = tpu.memref_slice %arg5[%add3A_63, %dma_wait3A_124] : memref<48x128xi32, #tpu.memory_space<vmem>> -> memref<1x128xi32, #tpu.memory_space<vmem>>
      %dma_wait3A_126 = tpu.memref_squeeze %dma_wait3A_125 : memref<1x128xi32, #tpu.memory_space<vmem>> -> memref<128xi32, #tpu.memory_space<vmem>>
      %dma_wait3A_127 = arith.constant 0 : i32
      %dma_wait3A_128 = arith.constant 0 : i32
      %dma_wait3A_129 = tpu.memref_slice %arg3[%dma_wait3A_127, %dma_wait3A_128] : memref<1000000x32xf32, #tpu.memory_space<hbm>> -> memref<1000000x32xf32, #tpu.memory_space<hbm>>
      tpu.wait_indirect_dma semaphore(%arg7 : memref<!tpu.dma_semaphore, #tpu.memory_space<semaphore_mem>>) src(%dma_wait3A_129 : memref<1000000x32xf32, #tpu.memory_space<hbm>>) dst(%dma_wait3A_123 : memref<128x32xf32, #tpu.memory_space<vmem>>)
      %dma_wait3A_130 = arith.constant 640 : i32
      %dma_wait3A_131 = arith.constant 0 : i32
      %dma_wait3A_132 = tpu.memref_slice %arg6[%dma_wait3A_130, %dma_wait3A_131] : memref<768x32xf32, #tpu.memory_space<vmem>> -> memref<128x32xf32, #tpu.memory_space<vmem>>
      %dma_wait3A_133 = arith.constant 0 : i32
      %dma_wait3A_134 = tpu.memref_slice %arg5[%add3A_76, %dma_wait3A_133] : memref<48x128xi32, #tpu.memory_space<vmem>> -> memref<1x128xi32, #tpu.memory_space<vmem>>
      %dma_wait3A_135 = tpu.memref_squeeze %dma_wait3A_134 : memref<1x128xi32, #tpu.memory_space<vmem>> -> memref<128xi32, #tpu.memory_space<vmem>>
      %dma_wait3A_136 = arith.constant 0 : i32
      %dma_wait3A_137 = arith.constant 0 : i32
      %dma_wait3A_138 = tpu.memref_slice %arg3[%dma_wait3A_136, %dma_wait3A_137] : memref<1000000x32xf32, #tpu.memory_space<hbm>> -> memref<1000000x32xf32, #tpu.memory_space<hbm>>
      tpu.wait_indirect_dma semaphore(%arg7 : memref<!tpu.dma_semaphore, #tpu.memory_space<semaphore_mem>>) src(%dma_wait3A_138 : memref<1000000x32xf32, #tpu.memory_space<hbm>>) dst(%dma_wait3A_132 : memref<128x32xf32, #tpu.memory_space<vmem>>)
      %mul3A_139 = arith.constant 6144 : i32
      %mul3A_140 = arith.muli %add3A, %mul3A_139 : i32
      %mul3A_141 = arith.constant 768 : i32
      %mul3A_142 = arith.muli %scan3A_8, %mul3A_141 : i32
      %add3A_143 = arith.addi %mul3A_140, %mul3A_142 : i32
      "tpu.region"() ({
        %run_scoped3A = tpu.sem_alloc : memref<!tpu.dma_semaphore, #tpu.memory_space<semaphore_mem>>
        %dma_start3A_144 = arith.constant 0 : i32
        %dma_start3A_145 = tpu.memref_slice %arg4[%add3A_143, %dma_start3A_144] : memref<196608x32xf32, #tpu.memory_space<hbm>> -> memref<768x32xf32, #tpu.memory_space<hbm>>
        %dma_start3A_146 = arith.constant 0 : i32
        %dma_start3A_147 = tpu.memref_slice %arg4[%add3A_143, %dma_start3A_146] : memref<196608x32xf32, #tpu.memory_space<hbm>> -> memref<768x32xf32, #tpu.memory_space<hbm>>
        tpu.enqueue_dma source(%arg6 : memref<768x32xf32, #tpu.memory_space<vmem>>) target(%dma_start3A_147 : memref<768x32xf32, #tpu.memory_space<hbm>>) target_semaphore(%run_scoped3A : memref<!tpu.dma_semaphore, #tpu.memory_space<semaphore_mem>>)
        %dma_wait3A_148 = arith.constant 0 : i32
        %dma_wait3A_149 = tpu.memref_slice %arg4[%add3A_143, %dma_wait3A_148] : memref<196608x32xf32, #tpu.memory_space<hbm>> -> memref<768x32xf32, #tpu.memory_space<hbm>>
        %dma_wait3A_150 = arith.constant 0 : i32
        %dma_wait3A_151 = tpu.memref_slice %arg4[%add3A_143, %dma_wait3A_150] : memref<196608x32xf32, #tpu.memory_space<hbm>> -> memref<768x32xf32, #tpu.memory_space<hbm>>
        tpu.wait_dma2 semaphore(%run_scoped3A : memref<!tpu.dma_semaphore, #tpu.memory_space<semaphore_mem>>) src(%arg6 : memref<768x32xf32, #tpu.memory_space<vmem>>) dst(%dma_wait3A_151 : memref<768x32xf32, #tpu.memory_space<hbm>>)
        tpu.yield
      }) : () -> ()
    }
    %scan3A_7 = arith.constant 8 : i32
    return
  }
}

#map = affine_map<(d0, d1) -> (0, 0)>
module attributes {stable_mosaic.version = 14 : i64} {
  func.func @gather_kernel(%arg0: i32, %arg1: i32, %arg2: memref<2048x128xi32, #tpu.memory_space<hbm>>, %arg3: memref<1600000x32xf32, #tpu.memory_space<hbm>>, %arg4: memref<262144x32xf32, #tpu.memory_space<hbm>>, %arg5: memref<64x128xi32, #tpu.memory_space<vmem>>, %arg6: memref<1024x32xf32, #tpu.memory_space<vmem>>, %arg7: memref<!tpu.dma_semaphore, #tpu.memory_space<semaphore_mem>>) attributes {dimension_semantics = [#tpu.dimension_semantics<core_parallel>, #tpu.dimension_semantics<subcore_parallel>], iteration_bounds = array<i64: 2, 16>, scalar_prefetch = 0 : i64, scratch_operands = 3 : i64, tpu.core_type = #tpu.core_type<sc_vector_subcore>, window_params = [{transform_indices = #map}, {transform_indices = #map}, {transform_indices = #map}]} {
    %mul3A = arith.constant 2 : i32
    %mul3A_0 = arith.muli %arg1, %mul3A : i32
    %add3A = arith.addi %mul3A_0, %arg0 : i32
    %mul3A_1 = arith.constant 64 : i32
    %mul3A_2 = arith.muli %add3A, %mul3A_1 : i32
    "tpu.region"() ({
      %run_scoped3A = tpu.sem_alloc : memref<!tpu.dma_semaphore, #tpu.memory_space<semaphore_mem>>
      %dma_start3A = arith.constant 0 : i32
      %dma_start3A_8 = tpu.memref_slice %arg2[%mul3A_2, %dma_start3A] : memref<2048x128xi32, #tpu.memory_space<hbm>> -> memref<64x128xi32, #tpu.memory_space<hbm>>
      %dma_start3A_9 = arith.constant 0 : i32
      %dma_start3A_10 = tpu.memref_slice %arg2[%mul3A_2, %dma_start3A_9] : memref<2048x128xi32, #tpu.memory_space<hbm>> -> memref<64x128xi32, #tpu.memory_space<hbm>>
      tpu.enqueue_dma source(%dma_start3A_10 : memref<64x128xi32, #tpu.memory_space<hbm>>) target(%arg5 : memref<64x128xi32, #tpu.memory_space<vmem>>) target_semaphore(%run_scoped3A : memref<!tpu.dma_semaphore, #tpu.memory_space<semaphore_mem>>)
      %dma_wait3A = arith.constant 0 : i32
      %dma_wait3A_11 = tpu.memref_slice %arg2[%mul3A_2, %dma_wait3A] : memref<2048x128xi32, #tpu.memory_space<hbm>> -> memref<64x128xi32, #tpu.memory_space<hbm>>
      %dma_wait3A_12 = arith.constant 0 : i32
      %dma_wait3A_13 = tpu.memref_slice %arg2[%mul3A_2, %dma_wait3A_12] : memref<2048x128xi32, #tpu.memory_space<hbm>> -> memref<64x128xi32, #tpu.memory_space<hbm>>
      tpu.wait_dma2 semaphore(%run_scoped3A : memref<!tpu.dma_semaphore, #tpu.memory_space<semaphore_mem>>) src(%dma_wait3A_13 : memref<64x128xi32, #tpu.memory_space<hbm>>) dst(%arg5 : memref<64x128xi32, #tpu.memory_space<vmem>>)
      tpu.yield
    }) : () -> ()
    %scan3A = arith.constant 0 : i32
    %scan3A_3 = arith.constant 0 : i32
    %scan3A_4 = arith.constant 8 : i32
    %scan3A_5 = arith.addi %scan3A_3, %scan3A_4 : i32
    %scan3A_6 = arith.constant 1 : i32
    scf.for %scan3A_8 = %scan3A_3 to %scan3A_5 step %scan3A_6  : i32 {
      %mul3A_9 = arith.constant 8 : i32
      %mul3A_10 = arith.muli %scan3A_8, %mul3A_9 : i32
      %add3A_11 = arith.constant 0 : i32
      %add3A_12 = arith.addi %mul3A_10, %add3A_11 : i32
      %dma_start3A = arith.constant 0 : i32
      %dma_start3A_13 = arith.constant 0 : i32
      %dma_start3A_14 = tpu.memref_slice %arg6[%dma_start3A, %dma_start3A_13] : memref<1024x32xf32, #tpu.memory_space<vmem>> -> memref<128x32xf32, #tpu.memory_space<vmem>>
      %dma_start3A_15 = arith.constant 0 : i32
      %dma_start3A_16 = tpu.memref_slice %arg5[%add3A_12, %dma_start3A_15] : memref<64x128xi32, #tpu.memory_space<vmem>> -> memref<1x128xi32, #tpu.memory_space<vmem>>
      %dma_start3A_17 = tpu.memref_squeeze %dma_start3A_16 : memref<1x128xi32, #tpu.memory_space<vmem>> -> memref<128xi32, #tpu.memory_space<vmem>>
      %dma_start3A_18 = arith.constant 0 : i32
      %dma_start3A_19 = arith.constant 0 : i32
      %dma_start3A_20 = tpu.memref_slice %arg3[%dma_start3A_18, %dma_start3A_19] : memref<1600000x32xf32, #tpu.memory_space<hbm>> -> memref<1600000x32xf32, #tpu.memory_space<hbm>>
      tpu.enqueue_indirect_dma source(%dma_start3A_20 : memref<1600000x32xf32, #tpu.memory_space<hbm>>) target(%dma_start3A_14 : memref<128x32xf32, #tpu.memory_space<vmem>>) offsets(%dma_start3A_17 : memref<128xi32, #tpu.memory_space<vmem>>) semaphore(%arg7 : memref<!tpu.dma_semaphore, #tpu.memory_space<semaphore_mem>>)
      %mul3A_21 = arith.constant 8 : i32
      %mul3A_22 = arith.muli %scan3A_8, %mul3A_21 : i32
      %add3A_23 = arith.constant 1 : i32
      %add3A_24 = arith.addi %mul3A_22, %add3A_23 : i32
      %dma_start3A_25 = arith.constant 128 : i32
      %dma_start3A_26 = arith.constant 0 : i32
      %dma_start3A_27 = tpu.memref_slice %arg6[%dma_start3A_25, %dma_start3A_26] : memref<1024x32xf32, #tpu.memory_space<vmem>> -> memref<128x32xf32, #tpu.memory_space<vmem>>
      %dma_start3A_28 = arith.constant 0 : i32
      %dma_start3A_29 = tpu.memref_slice %arg5[%add3A_24, %dma_start3A_28] : memref<64x128xi32, #tpu.memory_space<vmem>> -> memref<1x128xi32, #tpu.memory_space<vmem>>
      %dma_start3A_30 = tpu.memref_squeeze %dma_start3A_29 : memref<1x128xi32, #tpu.memory_space<vmem>> -> memref<128xi32, #tpu.memory_space<vmem>>
      %dma_start3A_31 = arith.constant 0 : i32
      %dma_start3A_32 = arith.constant 0 : i32
      %dma_start3A_33 = tpu.memref_slice %arg3[%dma_start3A_31, %dma_start3A_32] : memref<1600000x32xf32, #tpu.memory_space<hbm>> -> memref<1600000x32xf32, #tpu.memory_space<hbm>>
      tpu.enqueue_indirect_dma source(%dma_start3A_33 : memref<1600000x32xf32, #tpu.memory_space<hbm>>) target(%dma_start3A_27 : memref<128x32xf32, #tpu.memory_space<vmem>>) offsets(%dma_start3A_30 : memref<128xi32, #tpu.memory_space<vmem>>) semaphore(%arg7 : memref<!tpu.dma_semaphore, #tpu.memory_space<semaphore_mem>>)
      %mul3A_34 = arith.constant 8 : i32
      %mul3A_35 = arith.muli %scan3A_8, %mul3A_34 : i32
      %add3A_36 = arith.constant 2 : i32
      %add3A_37 = arith.addi %mul3A_35, %add3A_36 : i32
      %dma_start3A_38 = arith.constant 256 : i32
      %dma_start3A_39 = arith.constant 0 : i32
      %dma_start3A_40 = tpu.memref_slice %arg6[%dma_start3A_38, %dma_start3A_39] : memref<1024x32xf32, #tpu.memory_space<vmem>> -> memref<128x32xf32, #tpu.memory_space<vmem>>
      %dma_start3A_41 = arith.constant 0 : i32
      %dma_start3A_42 = tpu.memref_slice %arg5[%add3A_37, %dma_start3A_41] : memref<64x128xi32, #tpu.memory_space<vmem>> -> memref<1x128xi32, #tpu.memory_space<vmem>>
      %dma_start3A_43 = tpu.memref_squeeze %dma_start3A_42 : memref<1x128xi32, #tpu.memory_space<vmem>> -> memref<128xi32, #tpu.memory_space<vmem>>
      %dma_start3A_44 = arith.constant 0 : i32
      %dma_start3A_45 = arith.constant 0 : i32
      %dma_start3A_46 = tpu.memref_slice %arg3[%dma_start3A_44, %dma_start3A_45] : memref<1600000x32xf32, #tpu.memory_space<hbm>> -> memref<1600000x32xf32, #tpu.memory_space<hbm>>
      tpu.enqueue_indirect_dma source(%dma_start3A_46 : memref<1600000x32xf32, #tpu.memory_space<hbm>>) target(%dma_start3A_40 : memref<128x32xf32, #tpu.memory_space<vmem>>) offsets(%dma_start3A_43 : memref<128xi32, #tpu.memory_space<vmem>>) semaphore(%arg7 : memref<!tpu.dma_semaphore, #tpu.memory_space<semaphore_mem>>)
      %mul3A_47 = arith.constant 8 : i32
      %mul3A_48 = arith.muli %scan3A_8, %mul3A_47 : i32
      %add3A_49 = arith.constant 3 : i32
      %add3A_50 = arith.addi %mul3A_48, %add3A_49 : i32
      %dma_start3A_51 = arith.constant 384 : i32
      %dma_start3A_52 = arith.constant 0 : i32
      %dma_start3A_53 = tpu.memref_slice %arg6[%dma_start3A_51, %dma_start3A_52] : memref<1024x32xf32, #tpu.memory_space<vmem>> -> memref<128x32xf32, #tpu.memory_space<vmem>>
      %dma_start3A_54 = arith.constant 0 : i32
      %dma_start3A_55 = tpu.memref_slice %arg5[%add3A_50, %dma_start3A_54] : memref<64x128xi32, #tpu.memory_space<vmem>> -> memref<1x128xi32, #tpu.memory_space<vmem>>
      %dma_start3A_56 = tpu.memref_squeeze %dma_start3A_55 : memref<1x128xi32, #tpu.memory_space<vmem>> -> memref<128xi32, #tpu.memory_space<vmem>>
      %dma_start3A_57 = arith.constant 0 : i32
      %dma_start3A_58 = arith.constant 0 : i32
      %dma_start3A_59 = tpu.memref_slice %arg3[%dma_start3A_57, %dma_start3A_58] : memref<1600000x32xf32, #tpu.memory_space<hbm>> -> memref<1600000x32xf32, #tpu.memory_space<hbm>>
      tpu.enqueue_indirect_dma source(%dma_start3A_59 : memref<1600000x32xf32, #tpu.memory_space<hbm>>) target(%dma_start3A_53 : memref<128x32xf32, #tpu.memory_space<vmem>>) offsets(%dma_start3A_56 : memref<128xi32, #tpu.memory_space<vmem>>) semaphore(%arg7 : memref<!tpu.dma_semaphore, #tpu.memory_space<semaphore_mem>>)
      %mul3A_60 = arith.constant 8 : i32
      %mul3A_61 = arith.muli %scan3A_8, %mul3A_60 : i32
      %add3A_62 = arith.constant 4 : i32
      %add3A_63 = arith.addi %mul3A_61, %add3A_62 : i32
      %dma_start3A_64 = arith.constant 512 : i32
      %dma_start3A_65 = arith.constant 0 : i32
      %dma_start3A_66 = tpu.memref_slice %arg6[%dma_start3A_64, %dma_start3A_65] : memref<1024x32xf32, #tpu.memory_space<vmem>> -> memref<128x32xf32, #tpu.memory_space<vmem>>
      %dma_start3A_67 = arith.constant 0 : i32
      %dma_start3A_68 = tpu.memref_slice %arg5[%add3A_63, %dma_start3A_67] : memref<64x128xi32, #tpu.memory_space<vmem>> -> memref<1x128xi32, #tpu.memory_space<vmem>>
      %dma_start3A_69 = tpu.memref_squeeze %dma_start3A_68 : memref<1x128xi32, #tpu.memory_space<vmem>> -> memref<128xi32, #tpu.memory_space<vmem>>
      %dma_start3A_70 = arith.constant 0 : i32
      %dma_start3A_71 = arith.constant 0 : i32
      %dma_start3A_72 = tpu.memref_slice %arg3[%dma_start3A_70, %dma_start3A_71] : memref<1600000x32xf32, #tpu.memory_space<hbm>> -> memref<1600000x32xf32, #tpu.memory_space<hbm>>
      tpu.enqueue_indirect_dma source(%dma_start3A_72 : memref<1600000x32xf32, #tpu.memory_space<hbm>>) target(%dma_start3A_66 : memref<128x32xf32, #tpu.memory_space<vmem>>) offsets(%dma_start3A_69 : memref<128xi32, #tpu.memory_space<vmem>>) semaphore(%arg7 : memref<!tpu.dma_semaphore, #tpu.memory_space<semaphore_mem>>)
      %mul3A_73 = arith.constant 8 : i32
      %mul3A_74 = arith.muli %scan3A_8, %mul3A_73 : i32
      %add3A_75 = arith.constant 5 : i32
      %add3A_76 = arith.addi %mul3A_74, %add3A_75 : i32
      %dma_start3A_77 = arith.constant 640 : i32
      %dma_start3A_78 = arith.constant 0 : i32
      %dma_start3A_79 = tpu.memref_slice %arg6[%dma_start3A_77, %dma_start3A_78] : memref<1024x32xf32, #tpu.memory_space<vmem>> -> memref<128x32xf32, #tpu.memory_space<vmem>>
      %dma_start3A_80 = arith.constant 0 : i32
      %dma_start3A_81 = tpu.memref_slice %arg5[%add3A_76, %dma_start3A_80] : memref<64x128xi32, #tpu.memory_space<vmem>> -> memref<1x128xi32, #tpu.memory_space<vmem>>
      %dma_start3A_82 = tpu.memref_squeeze %dma_start3A_81 : memref<1x128xi32, #tpu.memory_space<vmem>> -> memref<128xi32, #tpu.memory_space<vmem>>
      %dma_start3A_83 = arith.constant 0 : i32
      %dma_start3A_84 = arith.constant 0 : i32
      %dma_start3A_85 = tpu.memref_slice %arg3[%dma_start3A_83, %dma_start3A_84] : memref<1600000x32xf32, #tpu.memory_space<hbm>> -> memref<1600000x32xf32, #tpu.memory_space<hbm>>
      tpu.enqueue_indirect_dma source(%dma_start3A_85 : memref<1600000x32xf32, #tpu.memory_space<hbm>>) target(%dma_start3A_79 : memref<128x32xf32, #tpu.memory_space<vmem>>) offsets(%dma_start3A_82 : memref<128xi32, #tpu.memory_space<vmem>>) semaphore(%arg7 : memref<!tpu.dma_semaphore, #tpu.memory_space<semaphore_mem>>)
      %mul3A_86 = arith.constant 8 : i32
      %mul3A_87 = arith.muli %scan3A_8, %mul3A_86 : i32
      %add3A_88 = arith.constant 6 : i32
      %add3A_89 = arith.addi %mul3A_87, %add3A_88 : i32
      %dma_start3A_90 = arith.constant 768 : i32
      %dma_start3A_91 = arith.constant 0 : i32
      %dma_start3A_92 = tpu.memref_slice %arg6[%dma_start3A_90, %dma_start3A_91] : memref<1024x32xf32, #tpu.memory_space<vmem>> -> memref<128x32xf32, #tpu.memory_space<vmem>>
      %dma_start3A_93 = arith.constant 0 : i32
      %dma_start3A_94 = tpu.memref_slice %arg5[%add3A_89, %dma_start3A_93] : memref<64x128xi32, #tpu.memory_space<vmem>> -> memref<1x128xi32, #tpu.memory_space<vmem>>
      %dma_start3A_95 = tpu.memref_squeeze %dma_start3A_94 : memref<1x128xi32, #tpu.memory_space<vmem>> -> memref<128xi32, #tpu.memory_space<vmem>>
      %dma_start3A_96 = arith.constant 0 : i32
      %dma_start3A_97 = arith.constant 0 : i32
      %dma_start3A_98 = tpu.memref_slice %arg3[%dma_start3A_96, %dma_start3A_97] : memref<1600000x32xf32, #tpu.memory_space<hbm>> -> memref<1600000x32xf32, #tpu.memory_space<hbm>>
      tpu.enqueue_indirect_dma source(%dma_start3A_98 : memref<1600000x32xf32, #tpu.memory_space<hbm>>) target(%dma_start3A_92 : memref<128x32xf32, #tpu.memory_space<vmem>>) offsets(%dma_start3A_95 : memref<128xi32, #tpu.memory_space<vmem>>) semaphore(%arg7 : memref<!tpu.dma_semaphore, #tpu.memory_space<semaphore_mem>>)
      %mul3A_99 = arith.constant 8 : i32
      %mul3A_100 = arith.muli %scan3A_8, %mul3A_99 : i32
      %add3A_101 = arith.constant 7 : i32
      %add3A_102 = arith.addi %mul3A_100, %add3A_101 : i32
      %dma_start3A_103 = arith.constant 896 : i32
      %dma_start3A_104 = arith.constant 0 : i32
      %dma_start3A_105 = tpu.memref_slice %arg6[%dma_start3A_103, %dma_start3A_104] : memref<1024x32xf32, #tpu.memory_space<vmem>> -> memref<128x32xf32, #tpu.memory_space<vmem>>
      %dma_start3A_106 = arith.constant 0 : i32
      %dma_start3A_107 = tpu.memref_slice %arg5[%add3A_102, %dma_start3A_106] : memref<64x128xi32, #tpu.memory_space<vmem>> -> memref<1x128xi32, #tpu.memory_space<vmem>>
      %dma_start3A_108 = tpu.memref_squeeze %dma_start3A_107 : memref<1x128xi32, #tpu.memory_space<vmem>> -> memref<128xi32, #tpu.memory_space<vmem>>
      %dma_start3A_109 = arith.constant 0 : i32
      %dma_start3A_110 = arith.constant 0 : i32
      %dma_start3A_111 = tpu.memref_slice %arg3[%dma_start3A_109, %dma_start3A_110] : memref<1600000x32xf32, #tpu.memory_space<hbm>> -> memref<1600000x32xf32, #tpu.memory_space<hbm>>
      tpu.enqueue_indirect_dma source(%dma_start3A_111 : memref<1600000x32xf32, #tpu.memory_space<hbm>>) target(%dma_start3A_105 : memref<128x32xf32, #tpu.memory_space<vmem>>) offsets(%dma_start3A_108 : memref<128xi32, #tpu.memory_space<vmem>>) semaphore(%arg7 : memref<!tpu.dma_semaphore, #tpu.memory_space<semaphore_mem>>)
      %dma_wait3A = arith.constant 0 : i32
      %dma_wait3A_112 = arith.constant 0 : i32
      %dma_wait3A_113 = tpu.memref_slice %arg6[%dma_wait3A, %dma_wait3A_112] : memref<1024x32xf32, #tpu.memory_space<vmem>> -> memref<128x32xf32, #tpu.memory_space<vmem>>
      %dma_wait3A_114 = arith.constant 0 : i32
      %dma_wait3A_115 = tpu.memref_slice %arg5[%add3A_12, %dma_wait3A_114] : memref<64x128xi32, #tpu.memory_space<vmem>> -> memref<1x128xi32, #tpu.memory_space<vmem>>
      %dma_wait3A_116 = tpu.memref_squeeze %dma_wait3A_115 : memref<1x128xi32, #tpu.memory_space<vmem>> -> memref<128xi32, #tpu.memory_space<vmem>>
      %dma_wait3A_117 = arith.constant 0 : i32
      %dma_wait3A_118 = arith.constant 0 : i32
      %dma_wait3A_119 = tpu.memref_slice %arg3[%dma_wait3A_117, %dma_wait3A_118] : memref<1600000x32xf32, #tpu.memory_space<hbm>> -> memref<1600000x32xf32, #tpu.memory_space<hbm>>
      tpu.wait_indirect_dma semaphore(%arg7 : memref<!tpu.dma_semaphore, #tpu.memory_space<semaphore_mem>>) src(%dma_wait3A_119 : memref<1600000x32xf32, #tpu.memory_space<hbm>>) dst(%dma_wait3A_113 : memref<128x32xf32, #tpu.memory_space<vmem>>)
      %dma_wait3A_120 = arith.constant 128 : i32
      %dma_wait3A_121 = arith.constant 0 : i32
      %dma_wait3A_122 = tpu.memref_slice %arg6[%dma_wait3A_120, %dma_wait3A_121] : memref<1024x32xf32, #tpu.memory_space<vmem>> -> memref<128x32xf32, #tpu.memory_space<vmem>>
      %dma_wait3A_123 = arith.constant 0 : i32
      %dma_wait3A_124 = tpu.memref_slice %arg5[%add3A_24, %dma_wait3A_123] : memref<64x128xi32, #tpu.memory_space<vmem>> -> memref<1x128xi32, #tpu.memory_space<vmem>>
      %dma_wait3A_125 = tpu.memref_squeeze %dma_wait3A_124 : memref<1x128xi32, #tpu.memory_space<vmem>> -> memref<128xi32, #tpu.memory_space<vmem>>
      %dma_wait3A_126 = arith.constant 0 : i32
      %dma_wait3A_127 = arith.constant 0 : i32
      %dma_wait3A_128 = tpu.memref_slice %arg3[%dma_wait3A_126, %dma_wait3A_127] : memref<1600000x32xf32, #tpu.memory_space<hbm>> -> memref<1600000x32xf32, #tpu.memory_space<hbm>>
      tpu.wait_indirect_dma semaphore(%arg7 : memref<!tpu.dma_semaphore, #tpu.memory_space<semaphore_mem>>) src(%dma_wait3A_128 : memref<1600000x32xf32, #tpu.memory_space<hbm>>) dst(%dma_wait3A_122 : memref<128x32xf32, #tpu.memory_space<vmem>>)
      %dma_wait3A_129 = arith.constant 256 : i32
      %dma_wait3A_130 = arith.constant 0 : i32
      %dma_wait3A_131 = tpu.memref_slice %arg6[%dma_wait3A_129, %dma_wait3A_130] : memref<1024x32xf32, #tpu.memory_space<vmem>> -> memref<128x32xf32, #tpu.memory_space<vmem>>
      %dma_wait3A_132 = arith.constant 0 : i32
      %dma_wait3A_133 = tpu.memref_slice %arg5[%add3A_37, %dma_wait3A_132] : memref<64x128xi32, #tpu.memory_space<vmem>> -> memref<1x128xi32, #tpu.memory_space<vmem>>
      %dma_wait3A_134 = tpu.memref_squeeze %dma_wait3A_133 : memref<1x128xi32, #tpu.memory_space<vmem>> -> memref<128xi32, #tpu.memory_space<vmem>>
      %dma_wait3A_135 = arith.constant 0 : i32
      %dma_wait3A_136 = arith.constant 0 : i32
      %dma_wait3A_137 = tpu.memref_slice %arg3[%dma_wait3A_135, %dma_wait3A_136] : memref<1600000x32xf32, #tpu.memory_space<hbm>> -> memref<1600000x32xf32, #tpu.memory_space<hbm>>
      tpu.wait_indirect_dma semaphore(%arg7 : memref<!tpu.dma_semaphore, #tpu.memory_space<semaphore_mem>>) src(%dma_wait3A_137 : memref<1600000x32xf32, #tpu.memory_space<hbm>>) dst(%dma_wait3A_131 : memref<128x32xf32, #tpu.memory_space<vmem>>)
      %dma_wait3A_138 = arith.constant 384 : i32
      %dma_wait3A_139 = arith.constant 0 : i32
      %dma_wait3A_140 = tpu.memref_slice %arg6[%dma_wait3A_138, %dma_wait3A_139] : memref<1024x32xf32, #tpu.memory_space<vmem>> -> memref<128x32xf32, #tpu.memory_space<vmem>>
      %dma_wait3A_141 = arith.constant 0 : i32
      %dma_wait3A_142 = tpu.memref_slice %arg5[%add3A_50, %dma_wait3A_141] : memref<64x128xi32, #tpu.memory_space<vmem>> -> memref<1x128xi32, #tpu.memory_space<vmem>>
      %dma_wait3A_143 = tpu.memref_squeeze %dma_wait3A_142 : memref<1x128xi32, #tpu.memory_space<vmem>> -> memref<128xi32, #tpu.memory_space<vmem>>
      %dma_wait3A_144 = arith.constant 0 : i32
      %dma_wait3A_145 = arith.constant 0 : i32
      %dma_wait3A_146 = tpu.memref_slice %arg3[%dma_wait3A_144, %dma_wait3A_145] : memref<1600000x32xf32, #tpu.memory_space<hbm>> -> memref<1600000x32xf32, #tpu.memory_space<hbm>>
      tpu.wait_indirect_dma semaphore(%arg7 : memref<!tpu.dma_semaphore, #tpu.memory_space<semaphore_mem>>) src(%dma_wait3A_146 : memref<1600000x32xf32, #tpu.memory_space<hbm>>) dst(%dma_wait3A_140 : memref<128x32xf32, #tpu.memory_space<vmem>>)
      %dma_wait3A_147 = arith.constant 512 : i32
      %dma_wait3A_148 = arith.constant 0 : i32
      %dma_wait3A_149 = tpu.memref_slice %arg6[%dma_wait3A_147, %dma_wait3A_148] : memref<1024x32xf32, #tpu.memory_space<vmem>> -> memref<128x32xf32, #tpu.memory_space<vmem>>
      %dma_wait3A_150 = arith.constant 0 : i32
      %dma_wait3A_151 = tpu.memref_slice %arg5[%add3A_63, %dma_wait3A_150] : memref<64x128xi32, #tpu.memory_space<vmem>> -> memref<1x128xi32, #tpu.memory_space<vmem>>
      %dma_wait3A_152 = tpu.memref_squeeze %dma_wait3A_151 : memref<1x128xi32, #tpu.memory_space<vmem>> -> memref<128xi32, #tpu.memory_space<vmem>>
      %dma_wait3A_153 = arith.constant 0 : i32
      %dma_wait3A_154 = arith.constant 0 : i32
      %dma_wait3A_155 = tpu.memref_slice %arg3[%dma_wait3A_153, %dma_wait3A_154] : memref<1600000x32xf32, #tpu.memory_space<hbm>> -> memref<1600000x32xf32, #tpu.memory_space<hbm>>
      tpu.wait_indirect_dma semaphore(%arg7 : memref<!tpu.dma_semaphore, #tpu.memory_space<semaphore_mem>>) src(%dma_wait3A_155 : memref<1600000x32xf32, #tpu.memory_space<hbm>>) dst(%dma_wait3A_149 : memref<128x32xf32, #tpu.memory_space<vmem>>)
      %dma_wait3A_156 = arith.constant 640 : i32
      %dma_wait3A_157 = arith.constant 0 : i32
      %dma_wait3A_158 = tpu.memref_slice %arg6[%dma_wait3A_156, %dma_wait3A_157] : memref<1024x32xf32, #tpu.memory_space<vmem>> -> memref<128x32xf32, #tpu.memory_space<vmem>>
      %dma_wait3A_159 = arith.constant 0 : i32
      %dma_wait3A_160 = tpu.memref_slice %arg5[%add3A_76, %dma_wait3A_159] : memref<64x128xi32, #tpu.memory_space<vmem>> -> memref<1x128xi32, #tpu.memory_space<vmem>>
      %dma_wait3A_161 = tpu.memref_squeeze %dma_wait3A_160 : memref<1x128xi32, #tpu.memory_space<vmem>> -> memref<128xi32, #tpu.memory_space<vmem>>
      %dma_wait3A_162 = arith.constant 0 : i32
      %dma_wait3A_163 = arith.constant 0 : i32
      %dma_wait3A_164 = tpu.memref_slice %arg3[%dma_wait3A_162, %dma_wait3A_163] : memref<1600000x32xf32, #tpu.memory_space<hbm>> -> memref<1600000x32xf32, #tpu.memory_space<hbm>>
      tpu.wait_indirect_dma semaphore(%arg7 : memref<!tpu.dma_semaphore, #tpu.memory_space<semaphore_mem>>) src(%dma_wait3A_164 : memref<1600000x32xf32, #tpu.memory_space<hbm>>) dst(%dma_wait3A_158 : memref<128x32xf32, #tpu.memory_space<vmem>>)
      %dma_wait3A_165 = arith.constant 768 : i32
      %dma_wait3A_166 = arith.constant 0 : i32
      %dma_wait3A_167 = tpu.memref_slice %arg6[%dma_wait3A_165, %dma_wait3A_166] : memref<1024x32xf32, #tpu.memory_space<vmem>> -> memref<128x32xf32, #tpu.memory_space<vmem>>
      %dma_wait3A_168 = arith.constant 0 : i32
      %dma_wait3A_169 = tpu.memref_slice %arg5[%add3A_89, %dma_wait3A_168] : memref<64x128xi32, #tpu.memory_space<vmem>> -> memref<1x128xi32, #tpu.memory_space<vmem>>
      %dma_wait3A_170 = tpu.memref_squeeze %dma_wait3A_169 : memref<1x128xi32, #tpu.memory_space<vmem>> -> memref<128xi32, #tpu.memory_space<vmem>>
      %dma_wait3A_171 = arith.constant 0 : i32
      %dma_wait3A_172 = arith.constant 0 : i32
      %dma_wait3A_173 = tpu.memref_slice %arg3[%dma_wait3A_171, %dma_wait3A_172] : memref<1600000x32xf32, #tpu.memory_space<hbm>> -> memref<1600000x32xf32, #tpu.memory_space<hbm>>
      tpu.wait_indirect_dma semaphore(%arg7 : memref<!tpu.dma_semaphore, #tpu.memory_space<semaphore_mem>>) src(%dma_wait3A_173 : memref<1600000x32xf32, #tpu.memory_space<hbm>>) dst(%dma_wait3A_167 : memref<128x32xf32, #tpu.memory_space<vmem>>)
      %dma_wait3A_174 = arith.constant 896 : i32
      %dma_wait3A_175 = arith.constant 0 : i32
      %dma_wait3A_176 = tpu.memref_slice %arg6[%dma_wait3A_174, %dma_wait3A_175] : memref<1024x32xf32, #tpu.memory_space<vmem>> -> memref<128x32xf32, #tpu.memory_space<vmem>>
      %dma_wait3A_177 = arith.constant 0 : i32
      %dma_wait3A_178 = tpu.memref_slice %arg5[%add3A_102, %dma_wait3A_177] : memref<64x128xi32, #tpu.memory_space<vmem>> -> memref<1x128xi32, #tpu.memory_space<vmem>>
      %dma_wait3A_179 = tpu.memref_squeeze %dma_wait3A_178 : memref<1x128xi32, #tpu.memory_space<vmem>> -> memref<128xi32, #tpu.memory_space<vmem>>
      %dma_wait3A_180 = arith.constant 0 : i32
      %dma_wait3A_181 = arith.constant 0 : i32
      %dma_wait3A_182 = tpu.memref_slice %arg3[%dma_wait3A_180, %dma_wait3A_181] : memref<1600000x32xf32, #tpu.memory_space<hbm>> -> memref<1600000x32xf32, #tpu.memory_space<hbm>>
      tpu.wait_indirect_dma semaphore(%arg7 : memref<!tpu.dma_semaphore, #tpu.memory_space<semaphore_mem>>) src(%dma_wait3A_182 : memref<1600000x32xf32, #tpu.memory_space<hbm>>) dst(%dma_wait3A_176 : memref<128x32xf32, #tpu.memory_space<vmem>>)
      %mul3A_183 = arith.constant 8192 : i32
      %mul3A_184 = arith.muli %add3A, %mul3A_183 : i32
      %mul3A_185 = arith.constant 1024 : i32
      %mul3A_186 = arith.muli %scan3A_8, %mul3A_185 : i32
      %add3A_187 = arith.addi %mul3A_184, %mul3A_186 : i32
      "tpu.region"() ({
        %run_scoped3A = tpu.sem_alloc : memref<!tpu.dma_semaphore, #tpu.memory_space<semaphore_mem>>
        %dma_start3A_188 = arith.constant 0 : i32
        %dma_start3A_189 = tpu.memref_slice %arg4[%add3A_187, %dma_start3A_188] : memref<262144x32xf32, #tpu.memory_space<hbm>> -> memref<1024x32xf32, #tpu.memory_space<hbm>>
        %dma_start3A_190 = arith.constant 0 : i32
        %dma_start3A_191 = tpu.memref_slice %arg4[%add3A_187, %dma_start3A_190] : memref<262144x32xf32, #tpu.memory_space<hbm>> -> memref<1024x32xf32, #tpu.memory_space<hbm>>
        tpu.enqueue_dma source(%arg6 : memref<1024x32xf32, #tpu.memory_space<vmem>>) target(%dma_start3A_191 : memref<1024x32xf32, #tpu.memory_space<hbm>>) target_semaphore(%run_scoped3A : memref<!tpu.dma_semaphore, #tpu.memory_space<semaphore_mem>>)
        %dma_wait3A_192 = arith.constant 0 : i32
        %dma_wait3A_193 = tpu.memref_slice %arg4[%add3A_187, %dma_wait3A_192] : memref<262144x32xf32, #tpu.memory_space<hbm>> -> memref<1024x32xf32, #tpu.memory_space<hbm>>
        %dma_wait3A_194 = arith.constant 0 : i32
        %dma_wait3A_195 = tpu.memref_slice %arg4[%add3A_187, %dma_wait3A_194] : memref<262144x32xf32, #tpu.memory_space<hbm>> -> memref<1024x32xf32, #tpu.memory_space<hbm>>
        tpu.wait_dma2 semaphore(%run_scoped3A : memref<!tpu.dma_semaphore, #tpu.memory_space<semaphore_mem>>) src(%arg6 : memref<1024x32xf32, #tpu.memory_space<vmem>>) dst(%dma_wait3A_195 : memref<1024x32xf32, #tpu.memory_space<hbm>>)
        tpu.yield
      }) : () -> ()
    }
    %scan3A_7 = arith.constant 8 : i32
    return
  }
}

module attributes {stable_mosaic.version = 14 : i64} {
  func.func @_dense_body(%arg0: i32, %arg1: memref<2048x13xf32, #tpu.memory_space<vmem>>, %arg2: memref<256x4x8x128xf32, #tpu.memory_space<vmem>>, %arg3: memref<256x3x8x128xf32, #tpu.memory_space<vmem>>, %arg4: memref<13x8xf32, #tpu.memory_space<vmem>>, %arg5: memref<1x8xf32, #tpu.memory_space<vmem>>, %arg6: memref<8x32xf32, #tpu.memory_space<vmem>>, %arg7: memref<1x32xf32, #tpu.memory_space<vmem>>, %arg8: memref<896x16xf32, #tpu.memory_space<vmem>>, %arg9: memref<32x16xf32, #tpu.memory_space<vmem>>, %arg10: memref<1x16xf32, #tpu.memory_space<vmem>>, %arg11: memref<16x1xf32, #tpu.memory_space<vmem>>, %arg12: memref<1x1xf32, #tpu.memory_space<vmem>>, %arg13: memref<2048x1xf32, #tpu.memory_space<vmem>>) attributes {dimension_semantics = [#tpu.dimension_semantics<arbitrary>], iteration_bounds = array<i64: 8>, scalar_prefetch = 0 : i64, scratch_operands = 0 : i64, tpu.core_type = #tpu.core_type<tc>, window_params = [{transform_indices = @transform_0, window_bounds = array<i64: 2048, 13>}, {transform_indices = @transform_1, window_bounds = array<i64: 256, 4, 8, 128>}, {transform_indices = @transform_2, window_bounds = array<i64: 256, 3, 8, 128>}, {pipeline_mode = #tpu.pipeline_mode<synchronous>, transform_indices = @transform_3, window_bounds = array<i64: 13, 8>}, {pipeline_mode = #tpu.pipeline_mode<synchronous>, transform_indices = @transform_4, window_bounds = array<i64: 1, 8>}, {pipeline_mode = #tpu.pipeline_mode<synchronous>, transform_indices = @transform_5, window_bounds = array<i64: 8, 32>}, {pipeline_mode = #tpu.pipeline_mode<synchronous>, transform_indices = @transform_6, window_bounds = array<i64: 1, 32>}, {pipeline_mode = #tpu.pipeline_mode<synchronous>, transform_indices = @transform_7, window_bounds = array<i64: 896, 16>}, {pipeline_mode = #tpu.pipeline_mode<synchronous>, transform_indices = @transform_8, window_bounds = array<i64: 32, 16>}, {pipeline_mode = #tpu.pipeline_mode<synchronous>, transform_indices = @transform_9, window_bounds = array<i64: 1, 16>}, {pipeline_mode = #tpu.pipeline_mode<synchronous>, transform_indices = @transform_10, window_bounds = array<i64: 16, 1>}, {pipeline_mode = #tpu.pipeline_mode<synchronous>, transform_indices = @transform_11, window_bounds = array<i64: 1, 1>}, {transform_indices = @transform_12, window_bounds = array<i64: 2048, 1>}]} {
    %get3A = arith.constant 0 : index
    %get3A_0 = arith.constant 0 : index
    %get3A_1 = vector.load %arg1[%get3A, %get3A_0] : memref<2048x13xf32, #tpu.memory_space<vmem>>, vector<2048x13xf32>
    %get3A_2 = arith.constant 0 : index
    %get3A_3 = arith.constant 0 : index
    %get3A_4 = vector.load %arg4[%get3A_2, %get3A_3] : memref<13x8xf32, #tpu.memory_space<vmem>>, vector<13x8xf32>
    %dot_general3A = arith.constant dense<0.000000e+00> : vector<2048x8xf32>
    %dot_general3A_5 = tpu.matmul %get3A_1, %get3A_4, %dot_general3A {dimension_numbers = #tpu.dot_dimension_numbers<[1], [0], [0], [1], [0, 0, 1, 1], [], []>, transpose_lhs_hint = false} : vector<2048x13xf32>, vector<13x8xf32>, vector<2048x8xf32> -> vector<2048x8xf32>
    %get3A_6 = arith.constant 0 : index
    %get3A_7 = arith.constant 0 : index
    %get3A_8 = vector.load %arg5[%get3A_6, %get3A_7] : memref<1x8xf32, #tpu.memory_space<vmem>>, vector<1x8xf32>
    %add3A = vector.broadcast %get3A_8 : vector<1x8xf32> to vector<2048x8xf32>
    %add3A_9 = arith.addf %dot_general3A_5, %add3A : vector<2048x8xf32>
    %max3A = arith.constant 0.000000e+00 : f32
    %max3A_10 = vector.broadcast %max3A : f32 to vector<2048x8xf32>
    %max3A_11 = arith.maximumf %add3A_9, %max3A_10 : vector<2048x8xf32>
    %get3A_12 = arith.constant 0 : index
    %get3A_13 = arith.constant 0 : index
    %get3A_14 = vector.load %arg6[%get3A_12, %get3A_13] : memref<8x32xf32, #tpu.memory_space<vmem>>, vector<8x32xf32>
    %dot_general3A_15 = arith.constant dense<0.000000e+00> : vector<2048x32xf32>
    %dot_general3A_16 = tpu.matmul %max3A_11, %get3A_14, %dot_general3A_15 {dimension_numbers = #tpu.dot_dimension_numbers<[1], [0], [0], [1], [0, 0, 1, 1], [], []>, transpose_lhs_hint = false} : vector<2048x8xf32>, vector<8x32xf32>, vector<2048x32xf32> -> vector<2048x32xf32>
    %get3A_17 = arith.constant 0 : index
    %get3A_18 = arith.constant 0 : index
    %get3A_19 = vector.load %arg7[%get3A_17, %get3A_18] : memref<1x32xf32, #tpu.memory_space<vmem>>, vector<1x32xf32>
    %add3A_20 = vector.broadcast %get3A_19 : vector<1x32xf32> to vector<2048x32xf32>
    %add3A_21 = arith.addf %dot_general3A_16, %add3A_20 : vector<2048x32xf32>
    %get3A_22 = arith.constant 0 : index
    %get3A_23 = arith.constant 0 : index
    %get3A_24 = vector.load %arg9[%get3A_22, %get3A_23] : memref<32x16xf32, #tpu.memory_space<vmem>>, vector<32x16xf32>
    %dot_general3A_25 = arith.constant dense<0.000000e+00> : vector<2048x16xf32>
    %dot_general3A_26 = tpu.matmul %add3A_21, %get3A_24, %dot_general3A_25 {dimension_numbers = #tpu.dot_dimension_numbers<[1], [0], [0], [1], [0, 0, 1, 1], [], []>, transpose_lhs_hint = false} : vector<2048x32xf32>, vector<32x16xf32>, vector<2048x16xf32> -> vector<2048x16xf32>
    %get3A_27 = arith.constant 0 : index
    %get3A_28 = arith.constant 0 : index
    %get3A_29 = vector.load %arg10[%get3A_27, %get3A_28] : memref<1x16xf32, #tpu.memory_space<vmem>>, vector<1x16xf32>
    %add3A_30 = vector.broadcast %get3A_29 : vector<1x16xf32> to vector<2048x16xf32>
    %add3A_31 = arith.addf %dot_general3A_26, %add3A_30 : vector<2048x16xf32>
    %get3A_32 = arith.constant 0 : index
    %get3A_33 = arith.constant 0 : index
    %get3A_34 = arith.constant 0 : index
    %get3A_35 = arith.constant 0 : index
    %get3A_36 = vector.load %arg2[%get3A_32, %get3A_33, %get3A_34, %get3A_35] : memref<256x4x8x128xf32, #tpu.memory_space<vmem>>, vector<256x1x8x128xf32>
    %get3A_37 = vector.shape_cast %get3A_36 : vector<256x1x8x128xf32> to vector<256x8x128xf32>
    %reshape3A = vector.shape_cast %get3A_37 : vector<256x8x128xf32> to vector<2048x128xf32>
    %get3A_38 = arith.constant 0 : index
    %get3A_39 = arith.constant 0 : index
    %get3A_40 = vector.load %arg8[%get3A_38, %get3A_39] : memref<896x16xf32, #tpu.memory_space<vmem>>, vector<128x16xf32>
    %dot_general3A_41 = arith.constant dense<0.000000e+00> : vector<2048x16xf32>
    %dot_general3A_42 = tpu.matmul %reshape3A, %get3A_40, %dot_general3A_41 {dimension_numbers = #tpu.dot_dimension_numbers<[1], [0], [0], [1], [0, 0, 1, 1], [], []>, transpose_lhs_hint = false} : vector<2048x128xf32>, vector<128x16xf32>, vector<2048x16xf32> -> vector<2048x16xf32>
    %add3A_43 = arith.addf %add3A_31, %dot_general3A_42 : vector<2048x16xf32>
    %get3A_44 = arith.constant 0 : index
    %get3A_45 = arith.constant 1 : index
    %get3A_46 = arith.constant 0 : index
    %get3A_47 = arith.constant 0 : index
    %get3A_48 = vector.load %arg2[%get3A_44, %get3A_45, %get3A_46, %get3A_47] : memref<256x4x8x128xf32, #tpu.memory_space<vmem>>, vector<256x1x8x128xf32>
    %get3A_49 = vector.shape_cast %get3A_48 : vector<256x1x8x128xf32> to vector<256x8x128xf32>
    %reshape3A_50 = vector.shape_cast %get3A_49 : vector<256x8x128xf32> to vector<2048x128xf32>
    %get3A_51 = arith.constant 128 : index
    %get3A_52 = arith.constant 0 : index
    %get3A_53 = vector.load %arg8[%get3A_51, %get3A_52] : memref<896x16xf32, #tpu.memory_space<vmem>>, vector<128x16xf32>
    %dot_general3A_54 = arith.constant dense<0.000000e+00> : vector<2048x16xf32>
    %dot_general3A_55 = tpu.matmul %reshape3A_50, %get3A_53, %dot_general3A_54 {dimension_numbers = #tpu.dot_dimension_numbers<[1], [0], [0], [1], [0, 0, 1, 1], [], []>, transpose_lhs_hint = false} : vector<2048x128xf32>, vector<128x16xf32>, vector<2048x16xf32> -> vector<2048x16xf32>
    %add3A_56 = arith.addf %add3A_43, %dot_general3A_55 : vector<2048x16xf32>
    %get3A_57 = arith.constant 0 : index
    %get3A_58 = arith.constant 2 : index
    %get3A_59 = arith.constant 0 : index
    %get3A_60 = arith.constant 0 : index
    %get3A_61 = vector.load %arg2[%get3A_57, %get3A_58, %get3A_59, %get3A_60] : memref<256x4x8x128xf32, #tpu.memory_space<vmem>>, vector<256x1x8x128xf32>
    %get3A_62 = vector.shape_cast %get3A_61 : vector<256x1x8x128xf32> to vector<256x8x128xf32>
    %reshape3A_63 = vector.shape_cast %get3A_62 : vector<256x8x128xf32> to vector<2048x128xf32>
    %get3A_64 = arith.constant 256 : index
    %get3A_65 = arith.constant 0 : index
    %get3A_66 = vector.load %arg8[%get3A_64, %get3A_65] : memref<896x16xf32, #tpu.memory_space<vmem>>, vector<128x16xf32>
    %dot_general3A_67 = arith.constant dense<0.000000e+00> : vector<2048x16xf32>
    %dot_general3A_68 = tpu.matmul %reshape3A_63, %get3A_66, %dot_general3A_67 {dimension_numbers = #tpu.dot_dimension_numbers<[1], [0], [0], [1], [0, 0, 1, 1], [], []>, transpose_lhs_hint = false} : vector<2048x128xf32>, vector<128x16xf32>, vector<2048x16xf32> -> vector<2048x16xf32>
    %add3A_69 = arith.addf %add3A_56, %dot_general3A_68 : vector<2048x16xf32>
    %get3A_70 = arith.constant 0 : index
    %get3A_71 = arith.constant 3 : index
    %get3A_72 = arith.constant 0 : index
    %get3A_73 = arith.constant 0 : index
    %get3A_74 = vector.load %arg2[%get3A_70, %get3A_71, %get3A_72, %get3A_73] : memref<256x4x8x128xf32, #tpu.memory_space<vmem>>, vector<256x1x8x128xf32>
    %get3A_75 = vector.shape_cast %get3A_74 : vector<256x1x8x128xf32> to vector<256x8x128xf32>
    %reshape3A_76 = vector.shape_cast %get3A_75 : vector<256x8x128xf32> to vector<2048x128xf32>
    %get3A_77 = arith.constant 384 : index
    %get3A_78 = arith.constant 0 : index
    %get3A_79 = vector.load %arg8[%get3A_77, %get3A_78] : memref<896x16xf32, #tpu.memory_space<vmem>>, vector<128x16xf32>
    %dot_general3A_80 = arith.constant dense<0.000000e+00> : vector<2048x16xf32>
    %dot_general3A_81 = tpu.matmul %reshape3A_76, %get3A_79, %dot_general3A_80 {dimension_numbers = #tpu.dot_dimension_numbers<[1], [0], [0], [1], [0, 0, 1, 1], [], []>, transpose_lhs_hint = false} : vector<2048x128xf32>, vector<128x16xf32>, vector<2048x16xf32> -> vector<2048x16xf32>
    %add3A_82 = arith.addf %add3A_69, %dot_general3A_81 : vector<2048x16xf32>
    %get3A_83 = arith.constant 0 : index
    %get3A_84 = arith.constant 0 : index
    %get3A_85 = arith.constant 0 : index
    %get3A_86 = arith.constant 0 : index
    %get3A_87 = vector.load %arg3[%get3A_83, %get3A_84, %get3A_85, %get3A_86] : memref<256x3x8x128xf32, #tpu.memory_space<vmem>>, vector<256x1x8x128xf32>
    %get3A_88 = vector.shape_cast %get3A_87 : vector<256x1x8x128xf32> to vector<256x8x128xf32>
    %reshape3A_89 = vector.shape_cast %get3A_88 : vector<256x8x128xf32> to vector<2048x128xf32>
    %get3A_90 = arith.constant 512 : index
    %get3A_91 = arith.constant 0 : index
    %get3A_92 = vector.load %arg8[%get3A_90, %get3A_91] : memref<896x16xf32, #tpu.memory_space<vmem>>, vector<128x16xf32>
    %dot_general3A_93 = arith.constant dense<0.000000e+00> : vector<2048x16xf32>
    %dot_general3A_94 = tpu.matmul %reshape3A_89, %get3A_92, %dot_general3A_93 {dimension_numbers = #tpu.dot_dimension_numbers<[1], [0], [0], [1], [0, 0, 1, 1], [], []>, transpose_lhs_hint = false} : vector<2048x128xf32>, vector<128x16xf32>, vector<2048x16xf32> -> vector<2048x16xf32>
    %add3A_95 = arith.addf %add3A_82, %dot_general3A_94 : vector<2048x16xf32>
    %get3A_96 = arith.constant 0 : index
    %get3A_97 = arith.constant 1 : index
    %get3A_98 = arith.constant 0 : index
    %get3A_99 = arith.constant 0 : index
    %get3A_100 = vector.load %arg3[%get3A_96, %get3A_97, %get3A_98, %get3A_99] : memref<256x3x8x128xf32, #tpu.memory_space<vmem>>, vector<256x1x8x128xf32>
    %get3A_101 = vector.shape_cast %get3A_100 : vector<256x1x8x128xf32> to vector<256x8x128xf32>
    %reshape3A_102 = vector.shape_cast %get3A_101 : vector<256x8x128xf32> to vector<2048x128xf32>
    %get3A_103 = arith.constant 640 : index
    %get3A_104 = arith.constant 0 : index
    %get3A_105 = vector.load %arg8[%get3A_103, %get3A_104] : memref<896x16xf32, #tpu.memory_space<vmem>>, vector<128x16xf32>
    %dot_general3A_106 = arith.constant dense<0.000000e+00> : vector<2048x16xf32>
    %dot_general3A_107 = tpu.matmul %reshape3A_102, %get3A_105, %dot_general3A_106 {dimension_numbers = #tpu.dot_dimension_numbers<[1], [0], [0], [1], [0, 0, 1, 1], [], []>, transpose_lhs_hint = false} : vector<2048x128xf32>, vector<128x16xf32>, vector<2048x16xf32> -> vector<2048x16xf32>
    %add3A_108 = arith.addf %add3A_95, %dot_general3A_107 : vector<2048x16xf32>
    %get3A_109 = arith.constant 0 : index
    %get3A_110 = arith.constant 2 : index
    %get3A_111 = arith.constant 0 : index
    %get3A_112 = arith.constant 0 : index
    %get3A_113 = vector.load %arg3[%get3A_109, %get3A_110, %get3A_111, %get3A_112] : memref<256x3x8x128xf32, #tpu.memory_space<vmem>>, vector<256x1x8x128xf32>
    %get3A_114 = vector.shape_cast %get3A_113 : vector<256x1x8x128xf32> to vector<256x8x128xf32>
    %reshape3A_115 = vector.shape_cast %get3A_114 : vector<256x8x128xf32> to vector<2048x128xf32>
    %get3A_116 = arith.constant 768 : index
    %get3A_117 = arith.constant 0 : index
    %get3A_118 = vector.load %arg8[%get3A_116, %get3A_117] : memref<896x16xf32, #tpu.memory_space<vmem>>, vector<128x16xf32>
    %dot_general3A_119 = arith.constant dense<0.000000e+00> : vector<2048x16xf32>
    %dot_general3A_120 = tpu.matmul %reshape3A_115, %get3A_118, %dot_general3A_119 {dimension_numbers = #tpu.dot_dimension_numbers<[1], [0], [0], [1], [0, 0, 1, 1], [], []>, transpose_lhs_hint = false} : vector<2048x128xf32>, vector<128x16xf32>, vector<2048x16xf32> -> vector<2048x16xf32>
    %add3A_121 = arith.addf %add3A_108, %dot_general3A_120 : vector<2048x16xf32>
    %max3A_122 = arith.constant 0.000000e+00 : f32
    %max3A_123 = vector.broadcast %max3A_122 : f32 to vector<2048x16xf32>
    %max3A_124 = arith.maximumf %add3A_121, %max3A_123 : vector<2048x16xf32>
    %get3A_125 = arith.constant 0 : index
    %get3A_126 = arith.constant 0 : index
    %get3A_127 = vector.load %arg11[%get3A_125, %get3A_126] : memref<16x1xf32, #tpu.memory_space<vmem>>, vector<16x1xf32>
    %dot_general3A_128 = arith.constant dense<0.000000e+00> : vector<2048x1xf32>
    %dot_general3A_129 = tpu.matmul %max3A_124, %get3A_127, %dot_general3A_128 {dimension_numbers = #tpu.dot_dimension_numbers<[1], [0], [0], [1], [0, 0, 1, 1], [], []>, transpose_lhs_hint = false} : vector<2048x16xf32>, vector<16x1xf32>, vector<2048x1xf32> -> vector<2048x1xf32>
    %get3A_130 = arith.constant 0 : index
    %get3A_131 = arith.constant 0 : index
    %get3A_132 = vector.load %arg12[%get3A_130, %get3A_131] : memref<1x1xf32, #tpu.memory_space<vmem>>, vector<1x1xf32>
    %add3A_133 = vector.broadcast %get3A_132 : vector<1x1xf32> to vector<2048x1xf32>
    %add3A_134 = arith.addf %dot_general3A_129, %add3A_133 : vector<2048x1xf32>
    %neg3A = arith.constant 0.000000e+00 : f32
    %neg3A_135 = vector.broadcast %neg3A : f32 to vector<2048x1xf32>
    %neg3A_136 = arith.subf %neg3A_135, %add3A_134 : vector<2048x1xf32>
    %exp3A = math.exp %neg3A_136 : vector<2048x1xf32>
    %add3A_137 = arith.constant 1.000000e+00 : f32
    %add3A_138 = vector.broadcast %add3A_137 : f32 to vector<2048x1xf32>
    %add3A_139 = arith.addf %add3A_138, %exp3A : vector<2048x1xf32>
    %div3A = arith.constant 1.000000e+00 : f32
    %div3A_140 = vector.broadcast %div3A : f32 to vector<2048x1xf32>
    %div3A_141 = arith.divf %div3A_140, %add3A_139 : vector<2048x1xf32>
    %swap3A = arith.constant 0 : index
    %swap3A_142 = arith.constant 0 : index
    %swap3A_143 = vector.load %arg13[%swap3A, %swap3A_142] : memref<2048x1xf32, #tpu.memory_space<vmem>>, vector<2048x1xf32>
    tpu.vector_store %arg13[%swap3A, %swap3A_142], %div3A_141 {strides = array<i32>} : memref<2048x1xf32, #tpu.memory_space<vmem>>, vector<2048x1xf32>,
    return
  }
  func.func @transform_0(%arg0: i32) -> (i32, i32) {
    %c0_i32 = arith.constant 0 : i32
    %c0_i32_0 = arith.constant 0 : i32
    return %arg0, %c0_i32 : i32, i32
  }
  func.func @transform_1(%arg0: i32) -> (i32, i32, i32, i32) {
    %c0_i32 = arith.constant 0 : i32
    %c0_i32_0 = arith.constant 0 : i32
    %c0_i32_1 = arith.constant 0 : i32
    %c0_i32_2 = arith.constant 0 : i32
    return %arg0, %c0_i32, %c0_i32_0, %c0_i32_1 : i32, i32, i32, i32
  }
  func.func @transform_2(%arg0: i32) -> (i32, i32, i32, i32) {
    %c0_i32 = arith.constant 0 : i32
    %c0_i32_0 = arith.constant 0 : i32
    %c0_i32_1 = arith.constant 0 : i32
    %c0_i32_2 = arith.constant 0 : i32
    return %arg0, %c0_i32, %c0_i32_0, %c0_i32_1 : i32, i32, i32, i32
  }
  func.func @transform_3(%arg0: i32) -> (i32, i32) {
    %c0_i32 = arith.constant 0 : i32
    %c0_i32_0 = arith.constant 0 : i32
    %c0_i32_1 = arith.constant 0 : i32
    return %c0_i32, %c0_i32_0 : i32, i32
  }
  func.func @transform_4(%arg0: i32) -> (i32, i32) {
    %c0_i32 = arith.constant 0 : i32
    %c0_i32_0 = arith.constant 0 : i32
    %c0_i32_1 = arith.constant 0 : i32
    return %c0_i32, %c0_i32_0 : i32, i32
  }
  func.func @transform_5(%arg0: i32) -> (i32, i32) {
    %c0_i32 = arith.constant 0 : i32
    %c0_i32_0 = arith.constant 0 : i32
    %c0_i32_1 = arith.constant 0 : i32
    return %c0_i32, %c0_i32_0 : i32, i32
  }
  func.func @transform_6(%arg0: i32) -> (i32, i32) {
    %c0_i32 = arith.constant 0 : i32
    %c0_i32_0 = arith.constant 0 : i32
    %c0_i32_1 = arith.constant 0 : i32
    return %c0_i32, %c0_i32_0 : i32, i32
  }
  func.func @transform_7(%arg0: i32) -> (i32, i32) {
    %c0_i32 = arith.constant 0 : i32
    %c0_i32_0 = arith.constant 0 : i32
    %c0_i32_1 = arith.constant 0 : i32
    return %c0_i32, %c0_i32_0 : i32, i32
  }
  func.func @transform_8(%arg0: i32) -> (i32, i32) {
    %c0_i32 = arith.constant 0 : i32
    %c0_i32_0 = arith.constant 0 : i32
    %c0_i32_1 = arith.constant 0 : i32
    return %c0_i32, %c0_i32_0 : i32, i32
  }
  func.func @transform_9(%arg0: i32) -> (i32, i32) {
    %c0_i32 = arith.constant 0 : i32
    %c0_i32_0 = arith.constant 0 : i32
    %c0_i32_1 = arith.constant 0 : i32
    return %c0_i32, %c0_i32_0 : i32, i32
  }
  func.func @transform_10(%arg0: i32) -> (i32, i32) {
    %c0_i32 = arith.constant 0 : i32
    %c0_i32_0 = arith.constant 0 : i32
    %c0_i32_1 = arith.constant 0 : i32
    return %c0_i32, %c0_i32_0 : i32, i32
  }
  func.func @transform_11(%arg0: i32) -> (i32, i32) {
    %c0_i32 = arith.constant 0 : i32
    %c0_i32_0 = arith.constant 0 : i32
    %c0_i32_1 = arith.constant 0 : i32
    return %c0_i32, %c0_i32_0 : i32, i32
  }
  func.func @transform_12(%arg0: i32) -> (i32, i32) {
    %c0_i32 = arith.constant 0 : i32
    %c0_i32_0 = arith.constant 0 : i32
    return %arg0, %c0_i32 : i32, i32
  }
}

</mosaic_0001>

<sc_bundles>
// kernel: kernel.5.cloned.1.call-start
scs
__scs_entry_jumppad:
0x0: {  	(pc) =	sbr.rel $0x88, $3  }
0x1: {  	(tag) =	ssettag $0x0;
	lr =	simm.s32 $0x1  }
0x2: {  	[smem:$0x3F96] =	sst lr;
	_ =	strace $0xD0000000  }
0x3: {  	_ = 	snop  }
0x4: {  	_ = 	snop  }
0x5: {  	_ = 	snop  }
0x6: {  	_ = 	snop  }
0x7: {  	_ = 	snop  }
__scs_overlays_trampoline_lowered:
0x8: {  	[smem:$0x3FA5] =	sst s0  }
0x9: {  	[smem:$0x3FA6] =	sst s1  }
0xa: {  	[smem:$0x3FA7] =	sst s2  }
0xb: {  	[smem:$0x3FA8] =	sst s3  }
0xc: {  	[smem:$0x3FA9] =	sst s4  }
0xd: {  	[smem:$0x3FAA] =	sst s5  }
0xe: {  	[smem:$0x3FAB] =	sst s6  }
0xf: {  	[smem:$0x3FAC] =	sst s7  }
0x10: {  	[smem:$0x3FAD] =	sst s8  }
0x11: {  	[smem:$0x3FAE] =	sst s9;
	s0 =	simm.s32 @!p0 $0x0  }
0x12: {  	s1 =	sld [smem:$0x3F94];
	s0 =	simm.s32 @p0 $0x1  }
0x13: {  	[smem:$0x3FAF] =	sst s0;
	s0 =	simm.s32 @!p1 $0x0  }
0x14: {  	s2 =	sld [smem:$0x3F93];
	s0 =	simm.s32 @p1 $0x1  }
0x15: {  	[smem:$0x3FB0] =	sst s0;
	s0 =	simm.s32 @!p2 $0x0  }
0x16: {  	s3 =	sld [smem:$0x3FDB];
	s0 =	simm.s32 @p2 $0x1  }
0x17: {  	s4 =	simm.s32 $0x1BF5;
	[smem:$0x3FB2] =	sst s0  }
0x18: {  	s0 =	sld [smem:$0x3F95];
	_ =	swait.ge [sflag:s4], $0x0  }
0x19: {  	s7 =	sld [smem:$0x3F96]  }
0x1a: {  	s8 =	sadd.s32 $0xFFFFE003, lr  }
0x1b: {  	s9 =	sadd.s32 $0xFFFFFEF7, lr;
	s5 =	simm.s32 $0xFFFFFFFF;
	p2 =	slt.u32 s8, $0xFFFFF086  }
0x1c: {  	p1 =	slt.u32 s9, $0xF7A;
	s5 =	simm.s32 @!p2 $0x0  }
0x1d: {  	s5 =	simm.s32 @p1 $0x1;
	p0 =	seq.s32 s7, s2  }
0x1e: {  	s7 =	smul.u32 @!p0 $0xF7A, s2;
	p2 =	seq.s32 @!p0 s5, $0x0  }
0x1f: {  	s9 =	smul.u32 $0xF7A, s1;
	s8 =	simm.s32 @!p0 $0x1BF5;
	p2 =	por !p2, p0  }
0x20: {  	[sflag:s8] =	ssyncset.s32 @!p0 $0xFFFFF086;
	s6 =	sadd.s32 @!p0 s3, s7;
	s7 =	simm.s32 @!p0 $0x108  }
0x21: {  	s3 =	sadd.s32 s3, s9;
	s6 =	sadd.s32 @!p0 $0x88, s6;
	s7 =	simm.s32 @p2 $0x1082  }
0x22: {  	[simem:s7], [sflag:s8] =	dma.local @!p0 [hbm:s6], $0xF7A  }
0x23: {  	s9 =	sor.u32 $0xD0000000, s2;
	s6 =	simm.s32 $0x108;
	_ =	swait.ge @!p0 [sflag:s8], $0x0  }
0x24: {  	s3 =	sadd.s32 $0x88, s3;
	s6 =	simm.s32 @!p1 $0x1082;
	[sflag:s4] =	ssyncset.s32 $0xFFFFF086  }
0x25: {  	[simem:s6], [sflag:s4] =	dma.local [hbm:s3], $0xF7A  }
0x26: {  	[smem:$0x3F96] =	sst s1;
	(tag) =	ssettag s2;
	_ =	strace s9  }
0x27: {  	s1 =	sld [smem:$0x3FA6]  }
0x28: {  	s2 =	sld [smem:$0x3FA7]  }
0x29: {  	s4 =	sld [smem:$0x3FA9]  }
0x2a: {  	p0 =	seq.s32 s5, $0x0;
	s5 =	sld [smem:$0x3FAA]  }
0x2b: {  	s6 =	sld [smem:$0x3FAB]  }
0x2c: {  	s7 =	sld [smem:$0x3FAC]  }
0x2d: {  	s3 =	simm.s32 $0x108;
	s8 =	sld [smem:$0x3FAD]  }
0x2e: {  	s3 =	simm.s32 @!p0 $0x1082;
	s9 =	sld [smem:$0x3FAE]  }
0x2f: {  	lr =	sadd.s32 s0, s3;
	s0 =	sld [smem:$0x3FA5]  }
0x30: {  	s3 =	sld [smem:$0x3FA8]  }
0x31: {  	[smem:$0x3FB1] =	sst s10  }
0x32: {  	s10 =	sld [smem:$0x3FAF];
	_ =	sdelay $0x3  }
0x33: {  	p0 =	seq.s32 s10, $0x1;
	s10 =	sld [smem:$0x3FB1];
	_ =	sdelay $0x3  }
0x34: {  	[smem:$0x3FB1] =	sst s10  }
0x35: {  	s10 =	sld [smem:$0x3FB0];
	_ =	sdelay $0x3  }
0x36: {  	p1 =	seq.s32 s10, $0x1;
	s10 =	sld [smem:$0x3FB1];
	_ =	sdelay $0x3  }
0x37: {  	[smem:$0x3FB1] =	sst s10  }
0x38: {  	s10 =	sld [smem:$0x3FB2]  }
0x39: {  	_ = 	snop;
	(pc) =	sbr.ind lr, $3  }
0x3a: {  	_ = 	snop  }
0x3b: {  	_ = 	snop  }
0x3c: {  	p2 =	seq.s32 s10, $0x1;
	s10 =	sld [smem:$0x3FB1]  }
0x3d: {  	_ =	shalt  }
0x3e: {  	_ =	shalt  }
0x3f: {  	_ =	shalt  }
0x40: {  	_ =	shalt  }
0x41: {  	_ =	shalt  }
0x42: {  	_ =	shalt  }
0x43: {  	_ =	shalt  }
0x44: {  	_ =	shalt  }
0x45: {  	_ =	shalt  }
0x46: {  	_ =	shalt  }
0x47: {  	_ =	shalt  }
0x48: {  	_ =	shalt  }
0x49: {  	_ =	shalt  }
0x4a: {  	_ =	shalt  }
0x4b: {  	_ =	shalt  }
0x4c: {  	_ =	shalt  }
0x4d: {  	_ =	shalt  }
0x4e: {  	_ =	shalt  }
0x4f: {  	_ =	shalt  }
0x50: {  	_ =	shalt  }
0x51: {  	_ =	shalt  }
0x52: {  	_ =	shalt  }
0x53: {  	_ =	shalt  }
0x54: {  	_ =	shalt  }
0x55: {  	_ =	shalt  }
0x56: {  	_ =	shalt  }
0x57: {  	_ =	shalt  }
0x58: {  	_ =	shalt  }
0x59: {  	_ =	shalt  }
0x5a: {  	_ =	shalt  }
0x5b: {  	_ =	shalt  }
0x5c: {  	_ =	shalt  }
0x5d: {  	_ =	shalt  }
0x5e: {  	_ =	shalt  }
0x5f: {  	_ =	shalt  }
0x60: {  	_ =	shalt  }
0x61: {  	_ =	shalt  }
0x62: {  	_ =	shalt  }
0x63: {  	_ =	shalt  }
0x64: {  	_ =	shalt  }
0x65: {  	_ =	shalt  }
0x66: {  	_ =	shalt  }
0x67: {  	_ =	shalt  }
0x68: {  	_ =	shalt  }
0x69: {  	_ =	shalt  }
0x6a: {  	_ =	shalt  }
0x6b: {  	_ =	shalt  }
0x6c: {  	_ =	shalt  }
0x6d: {  	_ =	shalt  }
0x6e: {  	_ =	shalt  }
0x6f: {  	_ =	shalt  }
0x70: {  	_ =	shalt  }
0x71: {  	_ =	shalt  }
0x72: {  	_ =	shalt  }
0x73: {  	_ =	shalt  }
0x74: {  	_ =	shalt  }
0x75: {  	_ =	shalt  }
0x76: {  	_ =	shalt  }
0x77: {  	_ =	shalt  }
0x78: {  	_ =	shalt  }
0x79: {  	_ =	shalt  }
0x7a: {  	_ =	shalt  }
0x7b: {  	_ =	shalt  }
0x7c: {  	_ =	shalt  }
0x7d: {  	_ =	shalt  }
0x7e: {  	_ =	shalt  }
0x7f: {  	_ =	shalt  }
0x80: {  	_ =	shalt  }
0x81: {  	_ =	shalt  }
0x82: {  	_ =	shalt  }
0x83: {  	_ =	shalt  }
0x84: {  	_ =	shalt  }
0x85: {  	_ =	shalt  }
0x86: {  	_ =	shalt  }
0x87: {  	_ =	shalt  }
.Lfunc_end0:
.L_simem_size_0:
called_computation.2_lowered:
.L_overlay_start_0:
0x88: {  	s2 =	sld [smem:$0x3FD9]  }
0x89: {  	s3 =	sld [smem:$0x3FFE];
	_ =	sdelay $0x1  }
0x8a: {  	s1 =	srdreg.scid  }
0x8b: {  	s0 =	sand.u32 $0x1, s1  }
0x8c: {  	s17 =	sshll.u32 s0, $0xA;
	s2 =	sadd.s32 s3, s2  }
0x8d: {  	s2 =	sadd.s32 s2, s17  }
0x8e: {  	[smem:$0x3FBD] =	sst s2  }
0x8f: {  	_ = 	snop  }
0x90: {  	(tm) =	ssettm $0x1  }
0x91: {  	s18 =	sld [smem:$0x3FFB];
	_ =	sdelay $0x3  }
0x92: {  	_ =	strace s18  }
0x93: {  	s2 =	sld [smem:$0x3FFC];
	_ =	sdelay $0x3  }
0x94: {  	_ =	strace s2  }
0x95: {  	s2 =	sld [smem:$0x3FFD];
	_ =	sdelay $0x3  }
0x96: {  	_ =	strace s2  }
0x97: {  	_ =	strace $0x8FFFFFFF  }
0x98: {  	s19 =	sld [smem:$0x3FDB];
	_ =	sdelay $0x1  }
0x99: {  	s20 =	simm.s32 $_scs_section_size  }
0x9a: {  	s4 =	simm.s32 $_size__tile_overlayer_lowered;
	s5 =	simm.s32 $_tile_overlayer_lowered  }
0x9b: {  	s6 =	simm.s32 $0x1BFF;
	s21 =	sshll.u32 s5, $0x1;
	s3 =	sadd.s32 s20, s19  }
0x9c: {  	s22 =	simm.s32 $0x0;
	s4 =	sshll.u32 s4, $0x1;
	s5 =	sadd.s32 s21, s3  }
0x9d: {  	[timem:s22], [sflag:s6] =	dma.local [hbm:s5], s4  }
0x9e: {  	_ =	swait.ge [sflag:s6], s4  }
0x9f: {  	s4 =	ssub.s32 $0x0, s4;
	[sflag:s6] =	ssyncset.done $0x0  }
0xa0: {  	[sflag:s6] =	ssyncadd.s32 s4;
	_ =	sdelay $0x1  }
0xa1: {  	s23 =	simm.s32 $0x1B8B  }
0xa2: {  	_ =	swait.ge [sflag:s23], $0x1  }
0xa3: {  	[sflag:s23] =	ssyncset.done $0x0  }
0xa4: {  	[sflag:s23] =	ssyncadd.s32 $0xFFFFFFFF  }
0xa5: {  	s4 =	sld [smem:$0x0]  }
0xa6: {  	s5 =	sand.u32 $0xFFFFFFFE, s1  }
0xa7: {  	p0 =	sne.s32 s1, s5  }
0xa8: {  	s5 =	sshll.u32 @p0 s5, $0xE  }
0xa9: {  	s5 =	sadd.s32 @p0 $0x11B8D, s5;
	s6 =	sshll.u32 @p0 s4, $0x11  }
0xaa: {  	s5 =	sor.u32 @p0 s6, s5  }
0xab: {  	[sflag:s5] =	ssyncadd.remote.s32 @p0 $0x1;
	_ =	sdelay $0x1  }
0xac: {  	s5 =	simm.s32 @p0 $0x1B8D  }
0xad: {  	_ =	swait.eq @p0 [sflag:s5], $0x1  }
0xae: {  	[sflag:s5] =	ssyncadd.s32 @p0 $0xFFFFFFFF  }
0xaf: {  	s6 =	sshll.u32 @!p0 s1, $0xE  }
0xb0: {  	s6 =	sor.u32 @!p0 $0x4000, s6;
	s5 =	simm.s32 @!p0 $0x1B8D  }
0xb1: {  	s4 =	sshll.u32 @!p0 s4, $0x11;
	s6 =	sadd.s32 @!p0 $0x11B8D, s6;
	_ =	swait.eq @!p0 [sflag:s5], $0x1  }
0xb2: {  	s4 =	sor.u32 @!p0 s4, s6;
	[sflag:s5] =	ssyncadd.s32 @!p0 $0xFFFFFFFF  }
0xb3: {  	s25 =	simm.s32 $0x1B8E;
	s24 =	sld [smem:$0x3FFE];
	[sflag:s4] =	ssyncadd.remote.s32 @!p0 $0x1  }
0xb4: {  	s26 =	simm.s32 $execute0_lowered;
	[smem:$0x3FD2] =	sst s25  }
0xb5: {  	s5 =	sshll.u32 s26, $0x1;
	_ =	strace $0x8000004F;
	[dreg:$0x1] =	wrdreg $0xFFFFFFFF  }
0xb6: {  	s28 =	simm.s32 $_size_execute0_lowered;
	s3 =	sadd.s32 s3, s5;
	[dreg:$0x0] =	wrdreg $0x0  }
0xb7: {  	s5 =	sshll.u32 s28, $0x1;
	[dreg:$0x2] =	wrdreg s3  }
0xb8: {  	[dreg:$0x3] =	wrdreg s5  }
0xb9: {  	[dreg:$0x4] =	wrdreg $0xC0  }
0xba: {  	_ =	task [dreg:s22], $0x5FFFF  }
0xbb: {  	[dreg:$0x1] =	wrdreg $0xFFFFFFFF  }
0xbc: {  	[dreg:$0x0] =	wrdreg $0x60  }
0xbd: {  	[dreg:$0x2] =	wrdreg s24  }
0xbe: {  	[dreg:$0x3] =	wrdreg $0x9  }
0xbf: {  	_ =	task.clear_ibuf [dreg:s22], $0x4FFFF;
	_ =	strace $0x9000004F  }
0xc0: {  	s29 =	simm.s32 $0x9;
	_ =	strace $0x80000051  }
0xc1: {  	_ =	swait.ge [sflag:s29], $0x1  }
0xc2: {  	[sflag:s29] =	ssyncadd.s32 $0xFFFFFFFF  }
0xc3: {  	_ =	strace $0x90000051  }
0xc4: {  	_ =	sfence  }
0xc5: {  	s30 =	sld [smem:$0x0];
	_ =	sdelay $0x2  }
0xc6: {  	s31 =	sshll.u32 s1, $0xD;
	s1 =	sshrl.u32 s1, $0x2  }
0xc7: {  	s4 =	sand.u32 $0x4000, s31;
	s1 =	sadd.s32 s1, s30  }
0xc8: {  	s0 =	sor.u32 s4, s0;
	s1 =	sshll.u32 s1, $0x11  }
0xc9: {  	s0 =	sor.u32 s1, s0  }
0xca: {  	s0 =	sadd.s32 $0x8F2B, s0  }
0xcb: {  	[sflag:s0] =	ssyncadd.remote.s32 $0x1  }
0xcc: {  	_ =	sfence.sel $0xFFFF  }
0xcd: {  	[dreg:$0x0] =	wrdreg $0xFFFFFFFF;
	(pc) =	sbr.abs _section_cstart, $3  }
0xce: {  	[dreg:$0x1] =	wrdreg $0xFFFFFFFF  }
0xcf: {  	_ =	task.clear_ibuf [dreg:s22], $0x2FFFF;
	_ =	strace $0x9FFFFFFF  }
0xd0: {  	(tm) =	ssettm $0x7FFFFFFF  }
0xd1: {  	_ =	shalt  }
tec
execute0_lowered:
.L_overlay_start_1:
0x0: {  	(tag) =	ssettag $0x1  }
0x1: {  	s3 =	rddreg [dreg:$0x0]  }
0x2: {  	s0 =	rddreg [dreg:$0x1]  }
0x3: {  	s4 =	srdreg.scid;
	s2 =	simm.s32 $0x0;
	s1 =	stileid.u32  }
0x4: {  	s9 =	simm.s32 $0x2000;
	s10 =	simm.s32 $0x3000;
	s11 =	simm.s32 $0x4000  }
0x5: {  	s12 =	simm.s32 $0x5000;
	s13 =	simm.s32 $0x6000;
	s14 =	simm.s32 $0x7000  }
0x6: {  	s15 =	simm.s32 $0x8000;
	s16 =	simm.s32 $0x9000;
	s17 =	simm.s32 $0x1  }
0x7: {  	s18 =	simm.s32 $0x0;
	s4 =	sand.u32 $0x1, s4;
	[smem:$0x7FF] =	sst s2  }
0x8: {  	s5 =	sshll.u32 s1, $0xB;
	s31 =	sshll.u32 s1, $0x10;
	s6 =	sshll.u32 s4, $0xA  }
0x9: {  	_ =	strace $0x80000050;
	s7 =	ssub.s32 $0x2, s4;
	s4 =	sshll.u32 s4, $0xF  }
0xa: {  	s5 =	sor.u32 s6, s5;
	s6 =	sadd.s32 s31, s3;
	s8 =	sshrl.u32 s7, $0x1  }
0xb: {  	s5 =	sadd.s32 s5, s3;
	s3 =	sadd.s32 $0x493600, s3;
	s7 =	ssub.s32 s7, s8  }
0xc: {  	s6 =	sadd.s32 s4, s6;
	s8 =	simm.s32 $0x80;
	s4 =	sadd.s32 $0x319C800, s5  }
0xd: {  	s5 =	smax.u32 s7, $0x1;
	s6 =	sadd.s32 $0xAADE00, s6;
	s7 =	simm.s32 $0x2  }
.LBB2_1:
0xe: {  	[tilespmem:s2], [sflag:$0x2] =	stream.linear.gather [hbm4b:s4+s2], $0x2000, $0x38;
	[tilespmem:$0xA000] =	vst v63  }
0xf: {  	_ =	swait.ge [sflag:s7], $0x2000  }
0x10: {  	[sflag:s7] =	ssyncset.done $0x0  }
0x11: {  	s19 =	simm.s32 $0x0;
	[sflag:s7] =	ssyncadd.s32 $0xFFFFE000  }
0x12: {  	[tilespmem:s9], [sflag:$0x1] =	stream.indirect.gather [hbm4b:s3+s8], $0x20, s19, s8, $0xb8;
	[tilespmem:$0xA000] =	vst v63  }
0x13: {  	s23 =	simm.s32 $0x80  }
0x14: {  	[tilespmem:s10], [sflag:$0x1] =	stream.indirect.gather [hbm4b:s3+s8], $0x20, s23, s8, $0xb8;
	[tilespmem:$0xA000] =	vst v63  }
0x15: {  	s24 =	simm.s32 $0x100  }
0x16: {  	[tilespmem:s11], [sflag:$0x1] =	stream.indirect.gather [hbm4b:s3+s8], $0x20, s24, s8, $0xb8;
	[tilespmem:$0xA000] =	vst v63  }
0x17: {  	s25 =	simm.s32 $0x180  }
0x18: {  	[tilespmem:s12], [sflag:$0x1] =	stream.indirect.gather [hbm4b:s3+s8], $0x20, s25, s8, $0xb8;
	[tilespmem:$0xA000] =	vst v63  }
0x19: {  	s26 =	simm.s32 $0x200  }
0x1a: {  	[tilespmem:s13], [sflag:$0x1] =	stream.indirect.gather [hbm4b:s3+s8], $0x20, s26, s8, $0xb8;
	[tilespmem:$0xA000] =	vst v63  }
0x1b: {  	s28 =	simm.s32 $0x280  }
0x1c: {  	[tilespmem:s14], [sflag:$0x1] =	stream.indirect.gather [hbm4b:s3+s8], $0x20, s28, s8, $0xb8;
	[tilespmem:$0xA000] =	vst v63  }
0x1d: {  	s29 =	simm.s32 $0x300  }
0x1e: {  	[tilespmem:s15], [sflag:$0x1] =	stream.indirect.gather [hbm4b:s3+s8], $0x20, s29, s8, $0xb8;
	[tilespmem:$0xA000] =	vst v63  }
0x1f: {  	s30 =	simm.s32 $0x380  }
0x20: {  	[tilespmem:s16], [sflag:$0x1] =	stream.indirect.gather [hbm4b:s3+s8], $0x20, s30, s8, $0xb8;
	[tilespmem:$0xA000] =	vst v63  }
0x21: {  	_ =	swait.ge [sflag:s17], $0x1000  }
0x22: {  	[sflag:s17] =	ssyncset.done $0x0  }
0x23: {  	[sflag:s17] =	ssyncadd.s32 $0xFFFFF000  }
0x24: {  	_ =	swait.ge [sflag:s17], $0x1000  }
0x25: {  	[sflag:s17] =	ssyncset.done $0x0  }
0x26: {  	[sflag:s17] =	ssyncadd.s32 $0xFFFFF000  }
0x27: {  	_ =	swait.ge [sflag:s17], $0x1000  }
0x28: {  	[sflag:s17] =	ssyncset.done $0x0  }
0x29: {  	[sflag:s17] =	ssyncadd.s32 $0xFFFFF000  }
0x2a: {  	_ =	swait.ge [sflag:s17], $0x1000  }
0x2b: {  	[sflag:s17] =	ssyncset.done $0x0  }
0x2c: {  	[sflag:s17] =	ssyncadd.s32 $0xFFFFF000  }
0x2d: {  	_ =	swait.ge [sflag:s17], $0x1000  }
0x2e: {  	[sflag:s17] =	ssyncset.done $0x0  }
0x2f: {  	[sflag:s17] =	ssyncadd.s32 $0xFFFFF000  }
0x30: {  	_ =	swait.ge [sflag:s17], $0x1000  }
0x31: {  	[sflag:s17] =	ssyncset.done $0x0  }
0x32: {  	[sflag:s17] =	ssyncadd.s32 $0xFFFFF000  }
0x33: {  	_ =	swait.ge [sflag:s17], $0x1000  }
0x34: {  	[sflag:s17] =	ssyncset.done $0x0  }
0x35: {  	[sflag:s17] =	ssyncadd.s32 $0xFFFFF000  }
0x36: {  	_ =	swait.ge [sflag:s17], $0x1000  }
0x37: {  	[sflag:s17] =	ssyncset.done $0x0  }
0x38: {  	s31 =	sadd.s32 $0x0, s6;
	[sflag:s17] =	ssyncadd.s32 $0xFFFFF000  }
0x39: {  	[hbm4b:s31+s2] =	stream.linear.scatter [tilespmem:s9], [sflag:$0x2], $0x8000, $0x38;
	[tilespmem:$0xA000] =	vst v63  }
0x3a: {  	_ =	swait.ge [sflag:s7], $0x8000  }
0x3b: {  	s22 =	simm.s32 $0x2000;
	s19 =	simm.s32 $0x1000;
	[sflag:s7] =	ssyncset.done $0x0  }
.LBB2_2:
0x3c: {  	s23 =	sshra.s32 s19, $0x2  }
0x3d: {  	[sflag:s7] =	ssyncadd.s32 $0xFFFF8000;
	s21 =	smov.u32 s22;
	s20 =	sadd.s32 $0x1000, s22  }
0x3e: {  	[tilespmem:s9], [sflag:$0x1] =	stream.indirect.gather [hbm4b:s3+s8], $0x20, s23, s8, $0xb8;
	[tilespmem:$0xA000] =	vst v63  }
0x3f: {  	p0 =	sne.s32 s22, $0x7000;
	s22 =	sadd.s32 $0x80, s23  }
0x40: {  	[tilespmem:s10], [sflag:$0x1] =	stream.indirect.gather [hbm4b:s3+s8], $0x20, s22, s8, $0xb8;
	[tilespmem:$0xA000] =	vst v63  }
0x41: {  	s22 =	sadd.s32 $0x100, s23  }
0x42: {  	[tilespmem:s11], [sflag:$0x1] =	stream.indirect.gather [hbm4b:s3+s8], $0x20, s22, s8, $0xb8;
	[tilespmem:$0xA000] =	vst v63  }
0x43: {  	s22 =	sadd.s32 $0x180, s23  }
0x44: {  	[tilespmem:s12], [sflag:$0x1] =	stream.indirect.gather [hbm4b:s3+s8], $0x20, s22, s8, $0xb8;
	[tilespmem:$0xA000] =	vst v63  }
0x45: {  	s22 =	sadd.s32 $0x200, s23  }
0x46: {  	[tilespmem:s13], [sflag:$0x1] =	stream.indirect.gather [hbm4b:s3+s8], $0x20, s22, s8, $0xb8;
	[tilespmem:$0xA000] =	vst v63  }
0x47: {  	s22 =	sadd.s32 $0x280, s23  }
0x48: {  	[tilespmem:s14], [sflag:$0x1] =	stream.indirect.gather [hbm4b:s3+s8], $0x20, s22, s8, $0xb8;
	[tilespmem:$0xA000] =	vst v63  }
0x49: {  	s22 =	sadd.s32 $0x300, s23  }
0x4a: {  	[tilespmem:s15], [sflag:$0x1] =	stream.indirect.gather [hbm4b:s3+s8], $0x20, s22, s8, $0xb8;
	[tilespmem:$0xA000] =	vst v63  }
0x4b: {  	s22 =	sadd.s32 $0x380, s23  }
0x4c: {  	[tilespmem:s16], [sflag:$0x1] =	stream.indirect.gather [hbm4b:s3+s8], $0x20, s22, s8, $0xb8;
	[tilespmem:$0xA000] =	vst v63  }
0x4d: {  	_ =	swait.ge [sflag:s17], $0x1000  }
0x4e: {  	[sflag:s17] =	ssyncset.done $0x0  }
0x4f: {  	[sflag:s17] =	ssyncadd.s32 $0xFFFFF000  }
0x50: {  	_ =	swait.ge [sflag:s17], $0x1000  }
0x51: {  	[sflag:s17] =	ssyncset.done $0x0  }
0x52: {  	[sflag:s17] =	ssyncadd.s32 $0xFFFFF000  }
0x53: {  	_ =	swait.ge [sflag:s17], $0x1000  }
0x54: {  	[sflag:s17] =	ssyncset.done $0x0  }
0x55: {  	[sflag:s17] =	ssyncadd.s32 $0xFFFFF000  }
0x56: {  	_ =	swait.ge [sflag:s17], $0x1000  }
0x57: {  	[sflag:s17] =	ssyncset.done $0x0  }
0x58: {  	[sflag:s17] =	ssyncadd.s32 $0xFFFFF000  }
0x59: {  	_ =	swait.ge [sflag:s17], $0x1000  }
0x5a: {  	[sflag:s17] =	ssyncset.done $0x0  }
0x5b: {  	[sflag:s17] =	ssyncadd.s32 $0xFFFFF000  }
0x5c: {  	_ =	swait.ge [sflag:s17], $0x1000  }
0x5d: {  	[sflag:s17] =	ssyncset.done $0x0  }
0x5e: {  	[sflag:s17] =	ssyncadd.s32 $0xFFFFF000  }
0x5f: {  	_ =	swait.ge [sflag:s17], $0x1000  }
0x60: {  	[sflag:s17] =	ssyncset.done $0x0  }
0x61: {  	[sflag:s17] =	ssyncadd.s32 $0xFFFFF000  }
0x62: {  	_ =	swait.ge [sflag:s17], $0x1000  }
.Ltmp0:
0x63: {  	[sflag:s17] =	ssyncset.done $0x0;
	(pc) =	sbr.rel @p0 .LBB2_2-.Ltmp0, $4  }
0x64: {  	s22 =	sadd.s32 s19, s6;
	s19 =	smov.u32 s21;
	[sflag:s17] =	ssyncadd.s32 $0xFFFFF000  }
0x65: {  	[hbm4b:s22+s2] =	stream.linear.scatter [tilespmem:s9], [sflag:$0x2], $0x8000, $0x38;
	[tilespmem:$0xA000] =	vst v63  }
0x66: {  	_ =	swait.ge [sflag:s7], $0x8000  }
0x67: {  	s22 =	smov.u32 s20;
	[sflag:s7] =	ssyncset.done $0x0  }
0x68: {  	s20 =	sshra.s32 s19, $0x2;
	[sflag:s7] =	ssyncadd.s32 $0xFFFF8000  }
0x69: {  	[tilespmem:s9], [sflag:$0x1] =	stream.indirect.gather [hbm4b:s3+s8], $0x20, s20, s8, $0xb8;
	[tilespmem:$0xA000] =	vst v63  }
0x6a: {  	s21 =	sadd.s32 $0x80, s20  }
0x6b: {  	[tilespmem:s10], [sflag:$0x1] =	stream.indirect.gather [hbm4b:s3+s8], $0x20, s21, s8, $0xb8;
	[tilespmem:$0xA000] =	vst v63  }
0x6c: {  	s25 =	sadd.s32 $0x100, s20  }
0x6d: {  	[tilespmem:s11], [sflag:$0x1] =	stream.indirect.gather [hbm4b:s3+s8], $0x20, s25, s8, $0xb8;
	[tilespmem:$0xA000] =	vst v63  }
0x6e: {  	s26 =	sadd.s32 $0x180, s20  }
0x6f: {  	[tilespmem:s12], [sflag:$0x1] =	stream.indirect.gather [hbm4b:s3+s8], $0x20, s26, s8, $0xb8;
	[tilespmem:$0xA000] =	vst v63  }
0x70: {  	s28 =	sadd.s32 $0x200, s20  }
0x71: {  	[tilespmem:s13], [sflag:$0x1] =	stream.indirect.gather [hbm4b:s3+s8], $0x20, s28, s8, $0xb8;
	[tilespmem:$0xA000] =	vst v63  }
0x72: {  	s29 =	sadd.s32 $0x280, s20  }
0x73: {  	[tilespmem:s14], [sflag:$0x1] =	stream.indirect.gather [hbm4b:s3+s8], $0x20, s29, s8, $0xb8;
	[tilespmem:$0xA000] =	vst v63  }
0x74: {  	s30 =	sadd.s32 $0x300, s20  }
0x75: {  	[tilespmem:s15], [sflag:$0x1] =	stream.indirect.gather [hbm4b:s3+s8], $0x20, s30, s8, $0xb8;
	[tilespmem:$0xA000] =	vst v63  }
0x76: {  	s20 =	sadd.s32 $0x380, s20  }
0x77: {  	[tilespmem:s16], [sflag:$0x1] =	stream.indirect.gather [hbm4b:s3+s8], $0x20, s20, s8, $0xb8;
	[tilespmem:$0xA000] =	vst v63  }
0x78: {  	_ =	swait.ge [sflag:s17], $0x1000  }
0x79: {  	[sflag:s17] =	ssyncset.done $0x0  }
0x7a: {  	[sflag:s17] =	ssyncadd.s32 $0xFFFFF000  }
0x7b: {  	_ =	swait.ge [sflag:s17], $0x1000  }
0x7c: {  	[sflag:s17] =	ssyncset.done $0x0  }
0x7d: {  	[sflag:s17] =	ssyncadd.s32 $0xFFFFF000  }
0x7e: {  	_ =	swait.ge [sflag:s17], $0x1000  }
0x7f: {  	[sflag:s17] =	ssyncset.done $0x0  }
0x80: {  	[sflag:s17] =	ssyncadd.s32 $0xFFFFF000  }
0x81: {  	_ =	swait.ge [sflag:s17], $0x1000  }
0x82: {  	[sflag:s17] =	ssyncset.done $0x0  }
0x83: {  	[sflag:s17] =	ssyncadd.s32 $0xFFFFF000  }
0x84: {  	_ =	swait.ge [sflag:s17], $0x1000  }
0x85: {  	[sflag:s17] =	ssyncset.done $0x0  }
0x86: {  	[sflag:s17] =	ssyncadd.s32 $0xFFFFF000  }
0x87: {  	_ =	swait.ge [sflag:s17], $0x1000  }
0x88: {  	[sflag:s17] =	ssyncset.done $0x0  }
0x89: {  	[sflag:s17] =	ssyncadd.s32 $0xFFFFF000  }
0x8a: {  	_ =	swait.ge [sflag:s17], $0x1000  }
0x8b: {  	[sflag:s17] =	ssyncset.done $0x0  }
0x8c: {  	[sflag:s17] =	ssyncadd.s32 $0xFFFFF000  }
0x8d: {  	s18 =	sadd.s32 $0x1, s18;
	_ =	swait.ge [sflag:s17], $0x1000  }
0x8e: {  	p0 =	sne.s32 s18, s5;
	[sflag:s17] =	ssyncset.done $0x0  }
.Ltmp1:
0x8f: {  	s31 =	sadd.s32 s19, s6;
	[sflag:s17] =	ssyncadd.s32 $0xFFFFF000;
	(pc) =	sbr.rel @p0 .LBB2_1-.Ltmp1, $4  }
0x90: {  	[hbm4b:s31+s2] =	stream.linear.scatter [tilespmem:s9], [sflag:$0x2], $0x8000, $0x38;
	[tilespmem:$0xA000] =	vst v63  }
0x91: {  	_ =	swait.ge [sflag:s7], $0x8000  }
0x92: {  	[sflag:s7] =	ssyncset.done $0x0  }
0x93: {  	[sflag:s7] =	ssyncadd.s32 $0xFFFF8000  }
0x94: {  	_ =	sfence.sel $0x180000  }
0x95: {  	[bflag:$0x0] =	sbarrier.arrive $0xFFFF  }
0x96: {  	p0 =	sne.s32 s1, $0x0;
	_ =	strace $0x90000050  }
0x97: {  	s0 =	sadd.s32 @!p0 $0x100000, s0;
	[bflag:$0x2] =	sbarrier.arrive $0xFFFF  }
0x98: {  	[sflag:s0] =	ssyncadd.tile.s32 @!p0 $0x1;
	_ =	shalt  }
.Lfunc_end2:
_tile_overlayer_lowered:
.L_overlay_start_2:
0x99: {  	(tag) =	ssettag $0x2  }
0x9a: {  	s0 =	rddreg [dreg:$0x0];
	s2 =	stileid.u32  }
0x9b: {  	s1 =	rddreg [dreg:$0x1];
	p0 =	sne.s32 s2, $0x0  }
0x9c: {  	s3 =	rddreg [dreg:$0x2];
	[bflag:$0x3] =	sbarrier.arrive $0xFFFF;
	s2 =	simm.s32 @!p0 $0x1C02  }
0x9d: {  	[timem:s3], [sflag:s2] =	dma.local @!p0 [hbm:s0], s1  }
0x9e: {  	s0 =	simm.s32 @!p0 $0x2  }
0x9f: {  	_ =	swait.ge @!p0 [sflag:s0], s1  }
0xa0: {  	s1 =	ssub.s32 @!p0 $0x0, s1;
	[sflag:s0] =	ssyncset.done @!p0 $0x0  }
0xa1: {  	[sflag:s0] =	ssyncadd.s32 @!p0 s1  }
0xa2: {  	[bflag:$0x3] =	sbarrier.arrive $0xFFFF  }
0xa3: {  	_ =	shalt  }

// kernel: kernel.8.cloned.1.call-start
scs
__scs_entry_jumppad:
0x0: {  	(pc) =	sbr.rel $0x88, $3  }
0x1: {  	(tag) =	ssettag $0x0;
	lr =	simm.s32 $0x1  }
0x2: {  	[smem:$0x3F96] =	sst lr;
	_ =	strace $0xD0000000  }
0x3: {  	_ = 	snop  }
0x4: {  	_ = 	snop  }
0x5: {  	_ = 	snop  }
0x6: {  	_ = 	snop  }
0x7: {  	_ = 	snop  }
__scs_overlays_trampoline_lowered:
0x8: {  	[smem:$0x3FA5] =	sst s0  }
0x9: {  	[smem:$0x3FA6] =	sst s1  }
0xa: {  	[smem:$0x3FA7] =	sst s2  }
0xb: {  	[smem:$0x3FA8] =	sst s3  }
0xc: {  	[smem:$0x3FA9] =	sst s4  }
0xd: {  	[smem:$0x3FAA] =	sst s5  }
0xe: {  	[smem:$0x3FAB] =	sst s6  }
0xf: {  	[smem:$0x3FAC] =	sst s7  }
0x10: {  	[smem:$0x3FAD] =	sst s8  }
0x11: {  	[smem:$0x3FAE] =	sst s9;
	s0 =	simm.s32 @!p0 $0x0  }
0x12: {  	s1 =	sld [smem:$0x3F94];
	s0 =	simm.s32 @p0 $0x1  }
0x13: {  	[smem:$0x3FAF] =	sst s0;
	s0 =	simm.s32 @!p1 $0x0  }
0x14: {  	s2 =	sld [smem:$0x3F93];
	s0 =	simm.s32 @p1 $0x1  }
0x15: {  	[smem:$0x3FB0] =	sst s0;
	s0 =	simm.s32 @!p2 $0x0  }
0x16: {  	s3 =	sld [smem:$0x3FDB];
	s0 =	simm.s32 @p2 $0x1  }
0x17: {  	s4 =	simm.s32 $0x1BF5;
	[smem:$0x3FB2] =	sst s0  }
0x18: {  	s0 =	sld [smem:$0x3F95];
	_ =	swait.ge [sflag:s4], $0x0  }
0x19: {  	s7 =	sld [smem:$0x3F96]  }
0x1a: {  	s8 =	sadd.s32 $0xFFFFE003, lr  }
0x1b: {  	s9 =	sadd.s32 $0xFFFFFEF7, lr;
	s5 =	simm.s32 $0xFFFFFFFF;
	p2 =	slt.u32 s8, $0xFFFFF086  }
0x1c: {  	p1 =	slt.u32 s9, $0xF7A;
	s5 =	simm.s32 @!p2 $0x0  }
0x1d: {  	s5 =	simm.s32 @p1 $0x1;
	p0 =	seq.s32 s7, s2  }
0x1e: {  	s7 =	smul.u32 @!p0 $0xF7A, s2;
	p2 =	seq.s32 @!p0 s5, $0x0  }
0x1f: {  	s9 =	smul.u32 $0xF7A, s1;
	s8 =	simm.s32 @!p0 $0x1BF5;
	p2 =	por !p2, p0  }
0x20: {  	[sflag:s8] =	ssyncset.s32 @!p0 $0xFFFFF086;
	s6 =	sadd.s32 @!p0 s3, s7;
	s7 =	simm.s32 @!p0 $0x108  }
0x21: {  	s3 =	sadd.s32 s3, s9;
	s6 =	sadd.s32 @!p0 $0x88, s6;
	s7 =	simm.s32 @p2 $0x1082  }
0x22: {  	[simem:s7], [sflag:s8] =	dma.local @!p0 [hbm:s6], $0xF7A  }
0x23: {  	s9 =	sor.u32 $0xD0000000, s2;
	s6 =	simm.s32 $0x108;
	_ =	swait.ge @!p0 [sflag:s8], $0x0  }
0x24: {  	s3 =	sadd.s32 $0x88, s3;
	s6 =	simm.s32 @!p1 $0x1082;
	[sflag:s4] =	ssyncset.s32 $0xFFFFF086  }
0x25: {  	[simem:s6], [sflag:s4] =	dma.local [hbm:s3], $0xF7A  }
0x26: {  	[smem:$0x3F96] =	sst s1;
	(tag) =	ssettag s2;
	_ =	strace s9  }
0x27: {  	s1 =	sld [smem:$0x3FA6]  }
0x28: {  	s2 =	sld [smem:$0x3FA7]  }
0x29: {  	s4 =	sld [smem:$0x3FA9]  }
0x2a: {  	p0 =	seq.s32 s5, $0x0;
	s5 =	sld [smem:$0x3FAA]  }
0x2b: {  	s6 =	sld [smem:$0x3FAB]  }
0x2c: {  	s7 =	sld [smem:$0x3FAC]  }
0x2d: {  	s3 =	simm.s32 $0x108;
	s8 =	sld [smem:$0x3FAD]  }
0x2e: {  	s3 =	simm.s32 @!p0 $0x1082;
	s9 =	sld [smem:$0x3FAE]  }
0x2f: {  	lr =	sadd.s32 s0, s3;
	s0 =	sld [smem:$0x3FA5]  }
0x30: {  	s3 =	sld [smem:$0x3FA8]  }
0x31: {  	[smem:$0x3FB1] =	sst s10  }
0x32: {  	s10 =	sld [smem:$0x3FAF];
	_ =	sdelay $0x3  }
0x33: {  	p0 =	seq.s32 s10, $0x1;
	s10 =	sld [smem:$0x3FB1];
	_ =	sdelay $0x3  }
0x34: {  	[smem:$0x3FB1] =	sst s10  }
0x35: {  	s10 =	sld [smem:$0x3FB0];
	_ =	sdelay $0x3  }
0x36: {  	p1 =	seq.s32 s10, $0x1;
	s10 =	sld [smem:$0x3FB1];
	_ =	sdelay $0x3  }
0x37: {  	[smem:$0x3FB1] =	sst s10  }
0x38: {  	s10 =	sld [smem:$0x3FB2]  }
0x39: {  	_ = 	snop;
	(pc) =	sbr.ind lr, $3  }
0x3a: {  	_ = 	snop  }
0x3b: {  	_ = 	snop  }
0x3c: {  	p2 =	seq.s32 s10, $0x1;
	s10 =	sld [smem:$0x3FB1]  }
0x3d: {  	_ =	shalt  }
0x3e: {  	_ =	shalt  }
0x3f: {  	_ =	shalt  }
0x40: {  	_ =	shalt  }
0x41: {  	_ =	shalt  }
0x42: {  	_ =	shalt  }
0x43: {  	_ =	shalt  }
0x44: {  	_ =	shalt  }
0x45: {  	_ =	shalt  }
0x46: {  	_ =	shalt  }
0x47: {  	_ =	shalt  }
0x48: {  	_ =	shalt  }
0x49: {  	_ =	shalt  }
0x4a: {  	_ =	shalt  }
0x4b: {  	_ =	shalt  }
0x4c: {  	_ =	shalt  }
0x4d: {  	_ =	shalt  }
0x4e: {  	_ =	shalt  }
0x4f: {  	_ =	shalt  }
0x50: {  	_ =	shalt  }
0x51: {  	_ =	shalt  }
0x52: {  	_ =	shalt  }
0x53: {  	_ =	shalt  }
0x54: {  	_ =	shalt  }
0x55: {  	_ =	shalt  }
0x56: {  	_ =	shalt  }
0x57: {  	_ =	shalt  }
0x58: {  	_ =	shalt  }
0x59: {  	_ =	shalt  }
0x5a: {  	_ =	shalt  }
0x5b: {  	_ =	shalt  }
0x5c: {  	_ =	shalt  }
0x5d: {  	_ =	shalt  }
0x5e: {  	_ =	shalt  }
0x5f: {  	_ =	shalt  }
0x60: {  	_ =	shalt  }
0x61: {  	_ =	shalt  }
0x62: {  	_ =	shalt  }
0x63: {  	_ =	shalt  }
0x64: {  	_ =	shalt  }
0x65: {  	_ =	shalt  }
0x66: {  	_ =	shalt  }
0x67: {  	_ =	shalt  }
0x68: {  	_ =	shalt  }
0x69: {  	_ =	shalt  }
0x6a: {  	_ =	shalt  }
0x6b: {  	_ =	shalt  }
0x6c: {  	_ =	shalt  }
0x6d: {  	_ =	shalt  }
0x6e: {  	_ =	shalt  }
0x6f: {  	_ =	shalt  }
0x70: {  	_ =	shalt  }
0x71: {  	_ =	shalt  }
0x72: {  	_ =	shalt  }
0x73: {  	_ =	shalt  }
0x74: {  	_ =	shalt  }
0x75: {  	_ =	shalt  }
0x76: {  	_ =	shalt  }
0x77: {  	_ =	shalt  }
0x78: {  	_ =	shalt  }
0x79: {  	_ =	shalt  }
0x7a: {  	_ =	shalt  }
0x7b: {  	_ =	shalt  }
0x7c: {  	_ =	shalt  }
0x7d: {  	_ =	shalt  }
0x7e: {  	_ =	shalt  }
0x7f: {  	_ =	shalt  }
0x80: {  	_ =	shalt  }
0x81: {  	_ =	shalt  }
0x82: {  	_ =	shalt  }
0x83: {  	_ =	shalt  }
0x84: {  	_ =	shalt  }
0x85: {  	_ =	shalt  }
0x86: {  	_ =	shalt  }
0x87: {  	_ =	shalt  }
.Lfunc_end0:
.L_simem_size_0:
called_computation.3_lowered:
.L_overlay_start_0:
0x88: {  	s2 =	sld [smem:$0x3FD9]  }
0x89: {  	s3 =	sld [smem:$0x3FFE];
	_ =	sdelay $0x1  }
0x8a: {  	s1 =	srdreg.scid  }
0x8b: {  	s0 =	sand.u32 $0x1, s1  }
0x8c: {  	s17 =	sshll.u32 s0, $0xA;
	s2 =	sadd.s32 s3, s2  }
0x8d: {  	s2 =	sadd.s32 s2, s17  }
0x8e: {  	[smem:$0x3FBD] =	sst s2  }
0x8f: {  	_ = 	snop  }
0x90: {  	(tm) =	ssettm $0x1  }
0x91: {  	s18 =	sld [smem:$0x3FFB];
	_ =	sdelay $0x3  }
0x92: {  	_ =	strace s18  }
0x93: {  	s2 =	sld [smem:$0x3FFC];
	_ =	sdelay $0x3  }
0x94: {  	_ =	strace s2  }
0x95: {  	s2 =	sld [smem:$0x3FFD];
	_ =	sdelay $0x3  }
0x96: {  	_ =	strace s2  }
0x97: {  	_ =	strace $0x8FFFFFFF  }
0x98: {  	s19 =	sld [smem:$0x3FDB];
	_ =	sdelay $0x1  }
0x99: {  	s20 =	simm.s32 $_scs_section_size  }
0x9a: {  	s4 =	simm.s32 $_size__tile_overlayer_lowered;
	s5 =	simm.s32 $_tile_overlayer_lowered  }
0x9b: {  	s6 =	simm.s32 $0x1BFF;
	s21 =	sshll.u32 s5, $0x1;
	s3 =	sadd.s32 s20, s19  }
0x9c: {  	s22 =	simm.s32 $0x0;
	s4 =	sshll.u32 s4, $0x1;
	s5 =	sadd.s32 s21, s3  }
0x9d: {  	[timem:s22], [sflag:s6] =	dma.local [hbm:s5], s4  }
0x9e: {  	_ =	swait.ge [sflag:s6], s4  }
0x9f: {  	s4 =	ssub.s32 $0x0, s4;
	[sflag:s6] =	ssyncset.done $0x0  }
0xa0: {  	[sflag:s6] =	ssyncadd.s32 s4;
	_ =	sdelay $0x1  }
0xa1: {  	s23 =	simm.s32 $0x1B8B  }
0xa2: {  	_ =	swait.ge [sflag:s23], $0x1  }
0xa3: {  	[sflag:s23] =	ssyncset.done $0x0  }
0xa4: {  	[sflag:s23] =	ssyncadd.s32 $0xFFFFFFFF  }
0xa5: {  	s4 =	sld [smem:$0x0]  }
0xa6: {  	s5 =	sand.u32 $0xFFFFFFFE, s1  }
0xa7: {  	p0 =	sne.s32 s1, s5  }
0xa8: {  	s5 =	sshll.u32 @p0 s5, $0xE  }
0xa9: {  	s5 =	sadd.s32 @p0 $0x11B8D, s5;
	s6 =	sshll.u32 @p0 s4, $0x11  }
0xaa: {  	s5 =	sor.u32 @p0 s6, s5  }
0xab: {  	[sflag:s5] =	ssyncadd.remote.s32 @p0 $0x1;
	_ =	sdelay $0x1  }
0xac: {  	s5 =	simm.s32 @p0 $0x1B8D  }
0xad: {  	_ =	swait.eq @p0 [sflag:s5], $0x1  }
0xae: {  	[sflag:s5] =	ssyncadd.s32 @p0 $0xFFFFFFFF  }
0xaf: {  	s6 =	sshll.u32 @!p0 s1, $0xE  }
0xb0: {  	s6 =	sor.u32 @!p0 $0x4000, s6;
	s5 =	simm.s32 @!p0 $0x1B8D  }
0xb1: {  	s4 =	sshll.u32 @!p0 s4, $0x11;
	s6 =	sadd.s32 @!p0 $0x11B8D, s6;
	_ =	swait.eq @!p0 [sflag:s5], $0x1  }
0xb2: {  	s4 =	sor.u32 @!p0 s4, s6;
	[sflag:s5] =	ssyncadd.s32 @!p0 $0xFFFFFFFF  }
0xb3: {  	s25 =	simm.s32 $0x1B8E;
	s24 =	sld [smem:$0x3FFE];
	[sflag:s4] =	ssyncadd.remote.s32 @!p0 $0x1  }
0xb4: {  	s26 =	simm.s32 $execute0_lowered;
	[smem:$0x3FD2] =	sst s25  }
0xb5: {  	s5 =	sshll.u32 s26, $0x1;
	_ =	strace $0x8000004C;
	[dreg:$0x1] =	wrdreg $0xFFFFFFFF  }
0xb6: {  	s28 =	simm.s32 $_size_execute0_lowered;
	s3 =	sadd.s32 s3, s5;
	[dreg:$0x0] =	wrdreg $0x0  }
0xb7: {  	s5 =	sshll.u32 s28, $0x1;
	[dreg:$0x2] =	wrdreg s3  }
0xb8: {  	[dreg:$0x3] =	wrdreg s5  }
0xb9: {  	[dreg:$0x4] =	wrdreg $0xC0  }
0xba: {  	_ =	task [dreg:s22], $0x5FFFF  }
0xbb: {  	[dreg:$0x1] =	wrdreg $0xFFFFFFFF  }
0xbc: {  	[dreg:$0x0] =	wrdreg $0x60  }
0xbd: {  	[dreg:$0x2] =	wrdreg s24  }
0xbe: {  	[dreg:$0x3] =	wrdreg $0xA  }
0xbf: {  	_ =	task.clear_ibuf [dreg:s22], $0x4FFFF;
	_ =	strace $0x9000004C  }
0xc0: {  	s29 =	simm.s32 $0xA;
	_ =	strace $0x8000004E  }
0xc1: {  	_ =	swait.ge [sflag:s29], $0x1  }
0xc2: {  	[sflag:s29] =	ssyncadd.s32 $0xFFFFFFFF  }
0xc3: {  	_ =	strace $0x9000004E  }
0xc4: {  	_ =	sfence  }
0xc5: {  	s30 =	sld [smem:$0x0];
	_ =	sdelay $0x2  }
0xc6: {  	s31 =	sshll.u32 s1, $0xD;
	s1 =	sshrl.u32 s1, $0x2  }
0xc7: {  	s4 =	sand.u32 $0x4000, s31;
	s1 =	sadd.s32 s1, s30  }
0xc8: {  	s0 =	sor.u32 s4, s0;
	s1 =	sshll.u32 s1, $0x11  }
0xc9: {  	s0 =	sor.u32 s1, s0  }
0xca: {  	s0 =	sadd.s32 $0x8F2B, s0  }
0xcb: {  	[sflag:s0] =	ssyncadd.remote.s32 $0x1  }
0xcc: {  	_ =	sfence.sel $0xFFFF  }
0xcd: {  	[dreg:$0x0] =	wrdreg $0xFFFFFFFF;
	(pc) =	sbr.abs _section_cstart, $3  }
0xce: {  	[dreg:$0x1] =	wrdreg $0xFFFFFFFF  }
0xcf: {  	_ =	task.clear_ibuf [dreg:s22], $0x2FFFF;
	_ =	strace $0x9FFFFFFF  }
0xd0: {  	(tm) =	ssettm $0x7FFFFFFF  }
0xd1: {  	_ =	shalt  }
tec
execute0_lowered:
.L_overlay_start_1:
0x0: {  	(tag) =	ssettag $0x1  }
0x1: {  	s1 =	srdreg.scid  }
0x2: {  	s0 =	stileid.u32;
	s4 =	rddreg [dreg:$0x0]  }
0x3: {  	s2 =	simm.s32 $0x0;
	s9 =	simm.s32 $0x1800;
	s10 =	simm.s32 $0x2800  }
0x4: {  	s11 =	simm.s32 $0x3800;
	s12 =	simm.s32 $0x4800;
	s13 =	simm.s32 $0x5800  }
0x5: {  	s14 =	simm.s32 $0x6800;
	s15 =	simm.s32 $0x1;
	s16 =	simm.s32 $0x0  }
0x6: {  	s3 =	sand.u32 $0x1, s1;
	s5 =	sshll.u32 s0, $0x1;
	s1 =	rddreg [dreg:$0x1]  }
0x7: {  	[smem:$0x7FF] =	sst s2;
	s6 =	smul.u32 $0xC000, s0;
	s5 =	sor.u32 s3, s5  }
0x8: {  	_ =	strace $0x8000004D;
	s7 =	ssub.s32 $0x2, s3;
	s8 =	smul.u32 $0x6000, s3  }
0x9: {  	s5 =	smul.u32 $0x300, s5;
	s6 =	sadd.s32 s6, s4;
	s31 =	sshrl.u32 s7, $0x1  }
0xa: {  	s3 =	sadd.s32 $0x2C00, s4;
	s7 =	ssub.s32 s7, s31;
	s6 =	sadd.s32 s8, s6  }
0xb: {  	s8 =	simm.s32 $0x80;
	s5 =	sadd.s32 s5, s4;
	s6 =	sadd.s32 $0x3D3600, s6  }
0xc: {  	s4 =	sadd.s32 $0x31AC800, s5;
	s5 =	smax.u32 s7, $0x1;
	s7 =	simm.s32 $0x2  }
.LBB2_1:
0xd: {  	[tilespmem:s2], [sflag:$0x2] =	stream.linear.gather [hbm4b:s4+s2], $0x1800, $0x38;
	[tilespmem:$0x7800] =	vst v63  }
0xe: {  	_ =	swait.ge [sflag:s7], $0x1800  }
0xf: {  	[sflag:s7] =	ssyncset.done $0x0  }
0x10: {  	s17 =	simm.s32 $0x0;
	[sflag:s7] =	ssyncadd.s32 $0xFFFFE800  }
0x11: {  	[tilespmem:s9], [sflag:$0x1] =	stream.indirect.gather [hbm4b:s3+s8], $0x20, s17, s8, $0xb8;
	[tilespmem:$0x7800] =	vst v63  }
0x12: {  	s25 =	simm.s32 $0x80  }
0x13: {  	[tilespmem:s10], [sflag:$0x1] =	stream.indirect.gather [hbm4b:s3+s8], $0x20, s25, s8, $0xb8;
	[tilespmem:$0x7800] =	vst v63  }
0x14: {  	s26 =	simm.s32 $0x100  }
0x15: {  	[tilespmem:s11], [sflag:$0x1] =	stream.indirect.gather [hbm4b:s3+s8], $0x20, s26, s8, $0xb8;
	[tilespmem:$0x7800] =	vst v63  }
0x16: {  	s28 =	simm.s32 $0x180  }
0x17: {  	[tilespmem:s12], [sflag:$0x1] =	stream.indirect.gather [hbm4b:s3+s8], $0x20, s28, s8, $0xb8;
	[tilespmem:$0x7800] =	vst v63  }
0x18: {  	s29 =	simm.s32 $0x200  }
0x19: {  	[tilespmem:s13], [sflag:$0x1] =	stream.indirect.gather [hbm4b:s3+s8], $0x20, s29, s8, $0xb8;
	[tilespmem:$0x7800] =	vst v63  }
0x1a: {  	s30 =	simm.s32 $0x280  }
0x1b: {  	[tilespmem:s14], [sflag:$0x1] =	stream.indirect.gather [hbm4b:s3+s8], $0x20, s30, s8, $0xb8;
	[tilespmem:$0x7800] =	vst v63  }
0x1c: {  	_ =	swait.ge [sflag:s15], $0x1000  }
0x1d: {  	[sflag:s15] =	ssyncset.done $0x0  }
0x1e: {  	[sflag:s15] =	ssyncadd.s32 $0xFFFFF000  }
0x1f: {  	_ =	swait.ge [sflag:s15], $0x1000  }
0x20: {  	[sflag:s15] =	ssyncset.done $0x0  }
0x21: {  	[sflag:s15] =	ssyncadd.s32 $0xFFFFF000  }
0x22: {  	_ =	swait.ge [sflag:s15], $0x1000  }
0x23: {  	[sflag:s15] =	ssyncset.done $0x0  }
0x24: {  	[sflag:s15] =	ssyncadd.s32 $0xFFFFF000  }
0x25: {  	_ =	swait.ge [sflag:s15], $0x1000  }
0x26: {  	[sflag:s15] =	ssyncset.done $0x0  }
0x27: {  	[sflag:s15] =	ssyncadd.s32 $0xFFFFF000  }
0x28: {  	_ =	swait.ge [sflag:s15], $0x1000  }
0x29: {  	[sflag:s15] =	ssyncset.done $0x0  }
0x2a: {  	[sflag:s15] =	ssyncadd.s32 $0xFFFFF000  }
0x2b: {  	_ =	swait.ge [sflag:s15], $0x1000  }
0x2c: {  	[sflag:s15] =	ssyncset.done $0x0  }
0x2d: {  	s31 =	sadd.s32 $0x0, s6;
	[sflag:s15] =	ssyncadd.s32 $0xFFFFF000  }
0x2e: {  	[hbm4b:s31+s2] =	stream.linear.scatter [tilespmem:s9], [sflag:$0x2], $0x6000, $0x38;
	[tilespmem:$0x7800] =	vst v63  }
0x2f: {  	_ =	swait.ge [sflag:s7], $0x6000  }
0x30: {  	s19 =	simm.s32 $0x1800;
	s17 =	simm.s32 $0xC00;
	[sflag:s7] =	ssyncset.done $0x0  }
.LBB2_2:
0x31: {  	s20 =	sshra.s32 s17, $0x2  }
0x32: {  	[sflag:s7] =	ssyncadd.s32 $0xFFFFA000;
	s21 =	smov.u32 s19;
	s18 =	sadd.s32 $0xC00, s19  }
0x33: {  	[tilespmem:s9], [sflag:$0x1] =	stream.indirect.gather [hbm4b:s3+s8], $0x20, s20, s8, $0xb8;
	[tilespmem:$0x7800] =	vst v63  }
0x34: {  	p0 =	sne.s32 s19, $0x5400;
	s19 =	sadd.s32 $0x80, s20  }
0x35: {  	[tilespmem:s10], [sflag:$0x1] =	stream.indirect.gather [hbm4b:s3+s8], $0x20, s19, s8, $0xb8;
	[tilespmem:$0x7800] =	vst v63  }
0x36: {  	s19 =	sadd.s32 $0x100, s20  }
0x37: {  	[tilespmem:s11], [sflag:$0x1] =	stream.indirect.gather [hbm4b:s3+s8], $0x20, s19, s8, $0xb8;
	[tilespmem:$0x7800] =	vst v63  }
0x38: {  	s19 =	sadd.s32 $0x180, s20  }
0x39: {  	[tilespmem:s12], [sflag:$0x1] =	stream.indirect.gather [hbm4b:s3+s8], $0x20, s19, s8, $0xb8;
	[tilespmem:$0x7800] =	vst v63  }
0x3a: {  	s19 =	sadd.s32 $0x200, s20  }
0x3b: {  	[tilespmem:s13], [sflag:$0x1] =	stream.indirect.gather [hbm4b:s3+s8], $0x20, s19, s8, $0xb8;
	[tilespmem:$0x7800] =	vst v63  }
0x3c: {  	s19 =	sadd.s32 $0x280, s20  }
0x3d: {  	[tilespmem:s14], [sflag:$0x1] =	stream.indirect.gather [hbm4b:s3+s8], $0x20, s19, s8, $0xb8;
	[tilespmem:$0x7800] =	vst v63  }
0x3e: {  	_ =	swait.ge [sflag:s15], $0x1000  }
0x3f: {  	[sflag:s15] =	ssyncset.done $0x0  }
0x40: {  	[sflag:s15] =	ssyncadd.s32 $0xFFFFF000  }
0x41: {  	_ =	swait.ge [sflag:s15], $0x1000  }
0x42: {  	[sflag:s15] =	ssyncset.done $0x0  }
0x43: {  	[sflag:s15] =	ssyncadd.s32 $0xFFFFF000  }
0x44: {  	_ =	swait.ge [sflag:s15], $0x1000  }
0x45: {  	[sflag:s15] =	ssyncset.done $0x0  }
0x46: {  	[sflag:s15] =	ssyncadd.s32 $0xFFFFF000  }
0x47: {  	_ =	swait.ge [sflag:s15], $0x1000  }
0x48: {  	[sflag:s15] =	ssyncset.done $0x0  }
0x49: {  	[sflag:s15] =	ssyncadd.s32 $0xFFFFF000  }
0x4a: {  	_ =	swait.ge [sflag:s15], $0x1000  }
0x4b: {  	[sflag:s15] =	ssyncset.done $0x0  }
0x4c: {  	[sflag:s15] =	ssyncadd.s32 $0xFFFFF000  }
0x4d: {  	_ =	swait.ge [sflag:s15], $0x1000  }
.Ltmp0:
0x4e: {  	[sflag:s15] =	ssyncset.done $0x0;
	(pc) =	sbr.rel @p0 .LBB2_2-.Ltmp0, $4  }
0x4f: {  	s19 =	sadd.s32 s17, s6;
	s17 =	smov.u32 s21;
	[sflag:s15] =	ssyncadd.s32 $0xFFFFF000  }
0x50: {  	[hbm4b:s19+s2] =	stream.linear.scatter [tilespmem:s9], [sflag:$0x2], $0x6000, $0x38;
	[tilespmem:$0x7800] =	vst v63  }
0x51: {  	_ =	swait.ge [sflag:s7], $0x6000  }
0x52: {  	s19 =	smov.u32 s18;
	[sflag:s7] =	ssyncset.done $0x0  }
0x53: {  	s18 =	sshra.s32 s17, $0x2;
	[sflag:s7] =	ssyncadd.s32 $0xFFFFA000  }
0x54: {  	[tilespmem:s9], [sflag:$0x1] =	stream.indirect.gather [hbm4b:s3+s8], $0x20, s18, s8, $0xb8;
	[tilespmem:$0x7800] =	vst v63  }
0x55: {  	s19 =	sadd.s32 $0x80, s18  }
0x56: {  	[tilespmem:s10], [sflag:$0x1] =	stream.indirect.gather [hbm4b:s3+s8], $0x20, s19, s8, $0xb8;
	[tilespmem:$0x7800] =	vst v63  }
0x57: {  	s28 =	sadd.s32 $0x100, s18  }
0x58: {  	[tilespmem:s11], [sflag:$0x1] =	stream.indirect.gather [hbm4b:s3+s8], $0x20, s28, s8, $0xb8;
	[tilespmem:$0x7800] =	vst v63  }
0x59: {  	s29 =	sadd.s32 $0x180, s18  }
0x5a: {  	[tilespmem:s12], [sflag:$0x1] =	stream.indirect.gather [hbm4b:s3+s8], $0x20, s29, s8, $0xb8;
	[tilespmem:$0x7800] =	vst v63  }
0x5b: {  	s30 =	sadd.s32 $0x200, s18  }
0x5c: {  	[tilespmem:s13], [sflag:$0x1] =	stream.indirect.gather [hbm4b:s3+s8], $0x20, s30, s8, $0xb8;
	[tilespmem:$0x7800] =	vst v63  }
0x5d: {  	s18 =	sadd.s32 $0x280, s18  }
0x5e: {  	[tilespmem:s14], [sflag:$0x1] =	stream.indirect.gather [hbm4b:s3+s8], $0x20, s18, s8, $0xb8;
	[tilespmem:$0x7800] =	vst v63  }
0x5f: {  	_ =	swait.ge [sflag:s15], $0x1000  }
0x60: {  	[sflag:s15] =	ssyncset.done $0x0  }
0x61: {  	[sflag:s15] =	ssyncadd.s32 $0xFFFFF000  }
0x62: {  	_ =	swait.ge [sflag:s15], $0x1000  }
0x63: {  	[sflag:s15] =	ssyncset.done $0x0  }
0x64: {  	[sflag:s15] =	ssyncadd.s32 $0xFFFFF000  }
0x65: {  	_ =	swait.ge [sflag:s15], $0x1000  }
0x66: {  	[sflag:s15] =	ssyncset.done $0x0  }
0x67: {  	[sflag:s15] =	ssyncadd.s32 $0xFFFFF000  }
0x68: {  	_ =	swait.ge [sflag:s15], $0x1000  }
0x69: {  	[sflag:s15] =	ssyncset.done $0x0  }
0x6a: {  	[sflag:s15] =	ssyncadd.s32 $0xFFFFF000  }
0x6b: {  	_ =	swait.ge [sflag:s15], $0x1000  }
0x6c: {  	[sflag:s15] =	ssyncset.done $0x0  }
0x6d: {  	[sflag:s15] =	ssyncadd.s32 $0xFFFFF000  }
0x6e: {  	s16 =	sadd.s32 $0x1, s16;
	_ =	swait.ge [sflag:s15], $0x1000  }
0x6f: {  	p0 =	sne.s32 s16, s5;
	[sflag:s15] =	ssyncset.done $0x0  }
.Ltmp1:
0x70: {  	s31 =	sadd.s32 s17, s6;
	[sflag:s15] =	ssyncadd.s32 $0xFFFFF000;
	(pc) =	sbr.rel @p0 .LBB2_1-.Ltmp1, $4  }
0x71: {  	[hbm4b:s31+s2] =	stream.linear.scatter [tilespmem:s9], [sflag:$0x2], $0x6000, $0x38;
	[tilespmem:$0x7800] =	vst v63  }
0x72: {  	_ =	swait.ge [sflag:s7], $0x6000  }
0x73: {  	[sflag:s7] =	ssyncset.done $0x0  }
0x74: {  	[sflag:s7] =	ssyncadd.s32 $0xFFFFA000  }
0x75: {  	_ =	sfence.sel $0x180000  }
0x76: {  	[bflag:$0x0] =	sbarrier.arrive $0xFFFF  }
0x77: {  	p0 =	sne.s32 s0, $0x0;
	_ =	strace $0x9000004D  }
0x78: {  	s0 =	sadd.s32 @!p0 $0x100000, s1;
	[bflag:$0x2] =	sbarrier.arrive $0xFFFF  }
0x79: {  	[sflag:s0] =	ssyncadd.tile.s32 @!p0 $0x1;
	_ =	shalt  }
.Lfunc_end2:
_tile_overlayer_lowered:
.L_overlay_start_2:
0x7a: {  	(tag) =	ssettag $0x2  }
0x7b: {  	s0 =	rddreg [dreg:$0x0];
	s2 =	stileid.u32  }
0x7c: {  	s1 =	rddreg [dreg:$0x1];
	p0 =	sne.s32 s2, $0x0  }
0x7d: {  	s3 =	rddreg [dreg:$0x2];
	[bflag:$0x3] =	sbarrier.arrive $0xFFFF;
	s2 =	simm.s32 @!p0 $0x1C02  }
0x7e: {  	[timem:s3], [sflag:s2] =	dma.local @!p0 [hbm:s0], s1  }
0x7f: {  	s0 =	simm.s32 @!p0 $0x2  }
0x80: {  	_ =	swait.ge @!p0 [sflag:s0], s1  }
0x81: {  	s1 =	ssub.s32 @!p0 $0x0, s1;
	[sflag:s0] =	ssyncset.done @!p0 $0x0  }
0x82: {  	[sflag:s0] =	ssyncadd.s32 @!p0 s1  }
0x83: {  	[bflag:$0x3] =	sbarrier.arrive $0xFFFF  }
0x84: {  	_ =	shalt  }

// kernel: sparse-core-data-format-call.1.cloned.1.call-start
scs
called_computation.1_lowered:
.L_overlay_start_0:
0x0: {  	s2 =	sld [smem:$0x3FD9]  }
0x1: {  	s3 =	sld [smem:$0x3FFE];
	_ =	sdelay $0x1  }
0x2: {  	s1 =	srdreg.scid  }
0x3: {  	s0 =	sand.u32 $0x1, s1  }
0x4: {  	s18 =	sshll.u32 s0, $0xA;
	s2 =	sadd.s32 s3, s2  }
0x5: {  	s2 =	sadd.s32 s2, s18  }
0x6: {  	[smem:$0x3FBD] =	sst s2  }
0x7: {  	_ = 	snop  }
0x8: {  	(tm) =	ssettm $0x1  }
0x9: {  	s19 =	sld [smem:$0x3FFB];
	_ =	sdelay $0x3  }
0xa: {  	_ =	strace s19  }
0xb: {  	s2 =	sld [smem:$0x3FFC];
	_ =	sdelay $0x3  }
0xc: {  	_ =	strace s2  }
0xd: {  	s2 =	sld [smem:$0x3FFD];
	_ =	sdelay $0x3  }
0xe: {  	_ =	strace s2  }
0xf: {  	_ =	strace $0x8FFFFFFF  }
0x10: {  	s20 =	sld [smem:$0x3FDB];
	_ =	sdelay $0x1  }
0x11: {  	s21 =	simm.s32 $_scs_section_size  }
0x12: {  	s4 =	simm.s32 $_size__tile_overlayer_lowered;
	s5 =	simm.s32 $_tile_overlayer_lowered  }
0x13: {  	s6 =	simm.s32 $0x1BFF;
	s22 =	sshll.u32 s5, $0x1;
	s3 =	sadd.s32 s21, s20  }
0x14: {  	s23 =	simm.s32 $0x0;
	s4 =	sshll.u32 s4, $0x1;
	s5 =	sadd.s32 s22, s3  }
0x15: {  	[timem:s23], [sflag:s6] =	dma.local [hbm:s5], s4  }
0x16: {  	_ =	swait.ge [sflag:s6], s4  }
0x17: {  	s4 =	ssub.s32 $0x0, s4;
	[sflag:s6] =	ssyncset.done $0x0  }
0x18: {  	[sflag:s6] =	ssyncadd.s32 s4;
	_ =	sdelay $0x1  }
0x19: {  	s24 =	simm.s32 $0x1B8B  }
0x1a: {  	_ =	swait.ge [sflag:s24], $0x1  }
0x1b: {  	[sflag:s24] =	ssyncset.done $0x0  }
0x1c: {  	[sflag:s24] =	ssyncadd.s32 $0xFFFFFFFF  }
0x1d: {  	s4 =	sld [smem:$0x0]  }
0x1e: {  	s5 =	sand.u32 $0xFFFFFFFE, s1  }
0x1f: {  	p0 =	sne.s32 s1, s5  }
0x20: {  	s5 =	sshll.u32 @p0 s5, $0xE  }
0x21: {  	s5 =	sadd.s32 @p0 $0x11B8D, s5;
	s6 =	sshll.u32 @p0 s4, $0x11  }
0x22: {  	s5 =	sor.u32 @p0 s6, s5  }
0x23: {  	[sflag:s5] =	ssyncadd.remote.s32 @p0 $0x1;
	_ =	sdelay $0x1  }
0x24: {  	s5 =	simm.s32 @p0 $0x1B8D  }
0x25: {  	_ =	swait.eq @p0 [sflag:s5], $0x1  }
0x26: {  	[sflag:s5] =	ssyncadd.s32 @p0 $0xFFFFFFFF  }
0x27: {  	s6 =	sshll.u32 @!p0 s1, $0xE  }
0x28: {  	s6 =	sor.u32 @!p0 $0x4000, s6;
	s5 =	simm.s32 @!p0 $0x1B8D  }
0x29: {  	s4 =	sshll.u32 @!p0 s4, $0x11;
	s6 =	sadd.s32 @!p0 $0x11B8D, s6;
	_ =	swait.eq @!p0 [sflag:s5], $0x1  }
0x2a: {  	s4 =	sor.u32 @!p0 s4, s6;
	[sflag:s5] =	ssyncadd.s32 @!p0 $0xFFFFFFFF  }
0x2b: {  	s26 =	simm.s32 $0x1B8E;
	s25 =	sld [smem:$0x3FFE];
	[sflag:s4] =	ssyncadd.remote.s32 @!p0 $0x1  }
0x2c: {  	s27 =	simm.s32 $execute0_lowered;
	[smem:$0x3FD2] =	sst s26  }
0x2d: {  	s5 =	sshll.u32 s27, $0x1;
	_ =	strace $0x80000049;
	[dreg:$0x1] =	wrdreg $0xFFFFFFFF  }
0x2e: {  	s28 =	simm.s32 $_size_execute0_lowered;
	s3 =	sadd.s32 s3, s5;
	[dreg:$0x0] =	wrdreg $0x0  }
0x2f: {  	s5 =	sshll.u32 s28, $0x1;
	[dreg:$0x2] =	wrdreg s3  }
0x30: {  	[dreg:$0x3] =	wrdreg s5  }
0x31: {  	[dreg:$0x4] =	wrdreg $0xC0  }
0x32: {  	_ =	task [dreg:s23], $0x5FFFF  }
0x33: {  	[dreg:$0x1] =	wrdreg $0xFFFFFFFF  }
0x34: {  	[dreg:$0x0] =	wrdreg $0x60  }
0x35: {  	[dreg:$0x2] =	wrdreg s25  }
0x36: {  	[dreg:$0x3] =	wrdreg $0x9  }
0x37: {  	_ =	task.clear_ibuf [dreg:s23], $0x4FFFF;
	_ =	strace $0x90000049  }
0x38: {  	s29 =	simm.s32 $0x9;
	_ =	strace $0x8000004B  }
0x39: {  	_ =	swait.ge [sflag:s29], $0x1  }
0x3a: {  	[sflag:s29] =	ssyncadd.s32 $0xFFFFFFFF  }
0x3b: {  	_ =	strace $0x9000004B  }
0x3c: {  	_ =	sfence  }
0x3d: {  	s30 =	sld [smem:$0x0];
	_ =	sdelay $0x2  }
0x3e: {  	s31 =	sshll.u32 s1, $0xD;
	s1 =	sshrl.u32 s1, $0x2  }
0x3f: {  	s4 =	sand.u32 $0x4000, s31;
	s1 =	sadd.s32 s1, s30  }
0x40: {  	s0 =	sor.u32 s4, s0;
	s1 =	sshll.u32 s1, $0x11  }
0x41: {  	s0 =	sor.u32 s1, s0  }
0x42: {  	s0 =	sadd.s32 $0x8F2B, s0  }
0x43: {  	[sflag:s0] =	ssyncadd.remote.s32 $0x1  }
0x44: {  	_ =	sfence.sel $0xFFFF  }
0x45: {  	[dreg:$0x0] =	wrdreg $0xFFFFFFFF;
	(pc) =	sbr.abs _section_cstart, $3  }
0x46: {  	[dreg:$0x1] =	wrdreg $0xFFFFFFFF  }
0x47: {  	_ =	task.clear_ibuf [dreg:s23], $0x2FFFF;
	_ =	strace $0x9FFFFFFF  }
0x48: {  	(tm) =	ssettm $0x7FFFFFFF  }
0x49: {  	_ =	shalt  }
tec
execute0_lowered:
.L_overlay_start_1:
0x0: {  	(tag) =	ssettag $0x1  }
0x1: {  	s1 =	rddreg [dreg:$0x0]  }
0x2: {  	s0 =	rddreg [dreg:$0x1]  }
0x3: {  	s3 =	srdreg.scid;
	_ =	strace $0x8000004A;
	s5 =	simm.s32 $0x1  }
0x4: {  	s6 =	simm.s32 $0x2;
	s16 =	simm.s32 $0x0;
	p0 =	por $0x0, $0x0  }
0x5: {  	s8 =	simm.s32 $0x80;
	s17 =	simm.s32 $0x0;
	s18 =	simm.s32 $0x0  }
0x6: {  	s9 =	simm.s32 $0x0;
	s10 =	simm.s32 $0x0;
	s11 =	simm.s32 $0x0  }
.Ltmp0:
0x7: {  	s13 =	simm.s32 $0x0;
	s4 =	sshll.u32 s3, $0x8;
	(pc) =	sbr.rel .LBB1_1-.Ltmp0, $4  }
0x8: {  	s14 =	stileid.u32;
	s15 =	simm.s32 $0x0;
	s4 =	sand.u32 $0x100, s4  }
0x9: {  	s2 =	sadd.s32 $0x1316800, s1;
	[sflag:s5] =	ssyncpa.u1 $0x0;
	s7 =	ssub.s32 $0x18600, s4  }
0xa: {  	s3 =	sadd.s32 $0x1932800, s1;
	[sflag:s6] =	ssyncpa.u1 $0x0;
	s6 =	sshrl.u32 s7, $0x9  }
0xb: {  	s1 =	stileid.u32;
	s12 =	smov.u32 s4;
	s7 =	sadd.s32 $0x2, s6  }
.LBB1_5:
0xc: {  	p1 =	slt.u32 s15, $0x2  }
0xd: {  	p2 =	sgt.s32 @!p1 s18, $0xF  }
0xe: {  	s19 =	smov.u32 s18;
	s20 =	sshra.s32 @!p1 s18, $0x1F;
	p2 =	por !p2, p1  }
0xf: {  	s18 =	sand.u32 @!p1 s20, s18;
	s19 =	simm.s32 @p2 $0xF  }
0x10: {  	p3 =	sgt.s32 @!p1 s17, $0x60;
	s18 =	ssub.s32 @!p1 s19, s18  }
0x11: {  	p3 =	por !p3, p1;
	s20 =	sshra.s32 @!p1 s17, $0x1F;
	s19 =	sadd.s32 @!p1 $0xFFFFFFF1, s18  }
0x12: {  	s18 =	ssub.s32 @!p1 $0x10, s18;
	p2 =	sgt.s32 @!p1 s19, $0x0;
	s19 =	smov.u32 s17  }
0x13: {  	s17 =	sand.u32 @!p1 s20, s17;
	s19 =	simm.s32 @p3 $0x60;
	p3 =	sgt.s32 @!p1 s16, $0x185A0  }
0x14: {  	s20 =	smov.u32 s16;
	p2 =	por !p2, p1;
	p3 =	por !p3, p1  }
0x15: {  	s17 =	ssub.s32 @!p1 s19, s17;
	s19 =	sshra.s32 @!p1 s16, $0x1F;
	s18 =	simm.s32 @!p2 $0x0  }
0x16: {  	s20 =	simm.s32 @p3 $0x185A0;
	s16 =	sand.u32 @!p1 s19, s16;
	s19 =	sadd.s32 @!p1 $0xFFFFFFA0, s17  }
0x17: {  	s17 =	ssub.s32 @!p1 $0x80, s17;
	s16 =	ssub.s32 @!p1 s20, s16;
	p2 =	sgt.s32 @!p1 s19, $0x1F  }
0x18: {  	s20 =	smov.u32 s13;
	s19 =	sadd.s32 @!p1 $0xFFFE7A60, s16;
	p2 =	por !p2, p1  }
0x19: {  	s16 =	ssub.s32 @!p1 $0x186A0, s16;
	p3 =	sgt.s32 @!p1 s19, $0xFF;
	s17 =	simm.s32 @!p2 $0x0  }
0x1a: {  	s19 =	sadd.s32 $0x200, s12;
	p2 =	por !p3, p1;
	s17 =	smul.u32 @!p1 s18, s17  }
0x1b: {  	s18 =	sadd.s32 $0x20, s13;
	s16 =	simm.s32 @!p2 $0x0;
	p2 =	sgt.s32 s19, $0x1869F  }
0x1c: {  	s21 =	smov.u32 s14;
	s20 =	smov.u32 @p2 s18  }
0x1d: {  	s16 =	smul.u32 @!p1 s16, s17;
	s17 =	sadd.s32 $0x10, s14;
	p3 =	sgt.s32 s20, $0x1F  }
0x1e: {  	p0 =	por !p0, !p0;
	s22 =	simm.s32 @!p1 $0x2;
	s21 =	smov.u32 @p3 s17  }
0x1f: {  	s19 =	smov.u32 @p2 s4;
	s18 =	smov.u32 s11;
	p2 =	sgt.s32 s21, $0xF  }
0x20: {  	s11 =	smov.u32 s14;
	s21 =	smov.u32 @p2 s1;
	p2 =	sne.s32 s15, s7  }
.Ltmp1:
0x21: {  	s16 =	sand.u32 @!p1 $0x3FFFFFFF, s16;
	s20 =	simm.s32 @p3 $0x0;
	(pc) =	sbr.rel @!p2 .LBB1_6-.Ltmp1, $4  }
0x22: {  	s17 =	smov.u32 s10;
	s10 =	smov.u32 s13;
	_ =	swait.ge @!p1 [sflag:s22], s16  }
0x23: {  	s23 =	ssub.s32 @!p1 $0x0, s16;
	s16 =	smov.u32 s9;
	s9 =	smov.u32 s12  }
0x24: {  	s12 =	smov.u32 s19;
	s13 =	smov.u32 s20;
	[sflag:s22] =	ssyncset.done @!p1 $0x0  }
0x25: {  	s15 =	sadd.s32 $0x1, s15;
	[sflag:s22] =	ssyncadd.s32 @!p1 s23;
	s14 =	smov.u32 s21  }
.LBB1_1:
0x26: {  	p1 =	sgt.u32 s15, s6  }
0x27: {  	s19 =	sshrl.u32 @!p1 s13, $0x3  }
0x28: {  	s20 =	sshll.u32 @!p1 s12, $0x3;
	s19 =	smul.u32 @!p1 $0xC3800, s19  }
0x29: {  	s21 =	sshll.u32 @!p1 s13, $0x7;
	s20 =	sand.u32 @!p1 $0xFFFFFC00, s20  }
0x2a: {  	s19 =	sadd.s32 @!p1 s19, s20;
	s20 =	sand.u32 @!p1 $0x380, s21  }
0x2b: {  	s21 =	sand.u32 @!p1 $0x7F, s12;
	s19 =	sor.u32 @!p1 s20, s19  }
0x2c: {  	s20 =	sor.u32 @!p1 s21, s19  }
0x2d: {  	s21 =	smulhi.u32 @!p1 $0xA79C7B17, s20  }
0x2e: {  	s19 =	smulhi.u32 @!p1 $0xA79C7B17, s19  }
0x2f: {  	s21 =	sshrl.u32 @!p1 s21, $0x10  }
0x30: {  	s19 =	sshrl.u32 @!p1 s19, $0x10;
	s21 =	smul.u32 @!p1 $0x18700, s21  }
0x31: {  	s22 =	sxor.u32 @!p1 $0xFFFFFFFF, s15;
	s23 =	smul.u32 @!p1 $0x61C00, s14;
	s19 =	sand.u32 @!p1 $0x1F, s19  }
0x32: {  	s22 =	sshll.u32 @!p1 s22, $0xD;
	s19 =	smul.u32 @!p1 $0x30E0, s19;
	s20 =	ssub.s32 @!p1 s20, s21  }
0x33: {  	s21 =	sand.u32 @!p1 $0x2000, s22;
	s22 =	sadd.s32 @!p1 s2, s23;
	s23 =	sand.u32 @!p1 $0x7, s20  }
0x34: {  	s20 =	sshrl.u32 @!p1 s20, $0x3;
	s19 =	sadd.s32 @!p1 s19, s22;
	s22 =	sshll.u32 @!p1 s23, $0x12  }
0x35: {  	s19 =	sadd.s32 @!p1 s20, s19;
	s20 =	sor.u32 @!p1 $0x800, s22;
	s22 =	simm.s32 @!p1 $0xC3800  }
0x36: {  	[tilespmem:s21], [sflag:$0x1] =	stream.strided.gather @!p1 [hbm4b:s19+s20], $0x2000, s22, s20, $0x38;
	[tilespmem:$0x8200] =	vst v63  }
0x37: {  	p1 =	seq.s32 s15, $0x0  }
0x38: {  	p2 =	sge.u32 @!p1 s15, s7  }
0x39: {  	p1 =	por p1, p2  }
.Ltmp2:
0x3a: {  	_ = 	snop;
	(pc) =	sbr.rel @p1 .LBB1_5-.Ltmp2, $1  }
0x3b: {  	_ =	sdelay $0x3  }
0x3c: {  	s21 =	simm.s32 $0x0  }
0x3d: {  	s22 =	sand.u32 $0x1800, s21;
	s23 =	sand.u32 $0x380, s21  }
0x3e: {  	s19 =	sand.u32 $0x1, s15;
	s23 =	sor.u32 s23, s22  }
0x3f: {  	_ =	swait.ge [sflag:s5], $0x2000;
	s20 =	sshll.u32 s19, $0xD;
	s22 =	sand.u32 $0x1B00, s23  }
0x40: {  	[sflag:s5] =	ssyncset.done $0x0;
	s21 =	sand.u32 $0x80, s21;
	s22 =	sadd.s32 s22, s20  }
0x41: {  	[sflag:s5] =	ssyncadd.s32 $0xFFFFE000;
	s25 =	sadd.s32 s21, s22  }
0x42: {  	v4 =	vld [tilespmem:s25+$0x400]  }
0x43: {  	s24 =	simm.s32 $0x1;
	v5 =	vld [tilespmem:s25+$0x0]  }
0x44: {  	s24 =	simm.s32 @!p0 $0x0;
	v6 =	vld [tilespmem:s25+$0x10]  }
0x45: {  	v0 =	vmov s20;
	s31 =	smul.u32 $0x8400, s24;
	v7 =	vld [tilespmem:s25+$0x20]  }
0x46: {  	v9 =	vld [tilespmem:s25+$0x30]  }
0x47: {  	s21 =	sshrl.u32 s31, $0x2;
	v10 =	vld [tilespmem:s25+$0x40]  }
0x48: {  	s21 =	sor.u32 $0x4000, s21;
	v11 =	vld [tilespmem:s25+$0x50]  }
0x49: {  	v8 =	vld [tilespmem:s25+$0x60];
	s22 =	sadd.s32 $0x0, s21  }
0x4a: {  	v1 =	vld.idx.msk [tilespmem:v0+s23+$0x410 ss:$0x1], $0xffff;
	[tilespmem:s22+$0x1080 ss:$0x21] =	vst.msk $0xffff, v4  }
0x4b: {  	v2 =	vld.idx.msk [tilespmem:v0+s23+$0x420 ss:$0x1], $0xffff;
	[tilespmem:s22+$0x0 ss:$0x21] =	vst.msk $0xffff, v5  }
0x4c: {  	v3 =	vld.idx.msk [tilespmem:v0+s23+$0x430 ss:$0x1], $0xffff;
	[tilespmem:s22+$0x210 ss:$0x21] =	vst.msk $0xffff, v6  }
0x4d: {  	s19 =	smul.u32 $0x8400, s19;
	[tilespmem:s22+$0x420 ss:$0x21] =	vst.msk $0xffff, v7;
	v7 =	vld [tilespmem:s25+$0x70]  }
0x4e: {  	s26 =	simm.s32 $0x80;
	s27 =	simm.s32 $0x8;
	[tilespmem:s22+$0x630 ss:$0x21] =	vst.msk $0xffff, v9;
	v4 =	vld.idx.msk [tilespmem:v0+s23+$0x440 ss:$0x1], $0xffff  }
0x4f: {  	s29 =	sand.u32 $0x380, s26;
	s19 =	sshrl.u32 s19, $0x2;
	[tilespmem:s22+$0x840 ss:$0x21] =	vst.msk $0xffff, v10;
	v5 =	vld.idx.msk [tilespmem:v0+s23+$0x450 ss:$0x1], $0xffff;
	s25 =	simm.s32 $0x100  }
0x50: {  	s24 =	simm.s32 $0x4;
	s19 =	sor.u32 $0x4000, s19;
	[tilespmem:s22+$0xA50 ss:$0x21] =	vst.msk $0xffff, v11;
	v6 =	vld.idx.msk [tilespmem:v0+s23+$0x460 ss:$0x1], $0xffff;
	s28 =	sand.u32 $0x1800, s25  }
.LBB1_3:
0x51: {  	p1 =	sne.s32 s27, $0x7C;
	[tilespmem:s22+$0xC60 ss:$0x21] =	vst.msk $0xffff, v8;
	v8 =	vld.idx.msk [tilespmem:v0+s23+$0x470 ss:$0x1], $0xffff;
	s23 =	sor.u32 s29, s28  }
0x52: {  	s28 =	sand.u32 $0x1B00, s23;
	v9 =	vld.idx.msk [tilespmem:v0+s23+$0x410 ss:$0x1], $0xffff;
	[tilespmem:s22+$0xE70 ss:$0x21] =	vst.msk $0xffff, v7  }
0x53: {  	s29 =	sand.u32 $0x80, s26;
	s28 =	sadd.s32 s28, s20;
	v7 =	vld.idx.msk [tilespmem:v0+s23+$0x420 ss:$0x1], $0xffff;
	[tilespmem:s22+$0x1290 ss:$0x21] =	vst.msk $0xffff, v1  }
0x54: {  	s28 =	sadd.s32 s29, s28;
	v10 =	vld.idx.msk [tilespmem:v0+s23+$0x430 ss:$0x1], $0xffff;
	[tilespmem:s22+$0x14A0 ss:$0x21] =	vst.msk $0xffff, v2  }
0x55: {  	v11 =	vld [tilespmem:s28+$0x400];
	[tilespmem:s22+$0x16B0 ss:$0x21] =	vst.msk $0xffff, v3  }
0x56: {  	v12 =	vld [tilespmem:s28+$0x0];
	[tilespmem:s22+$0x18C0 ss:$0x21] =	vst.msk $0xffff, v4  }
0x57: {  	v4 =	vld [tilespmem:s28+$0x10];
	[tilespmem:s22+$0x1AD0 ss:$0x21] =	vst.msk $0xffff, v5  }
0x58: {  	s29 =	sshra.s32 s24, $0x2;
	s24 =	smov.u32 s27;
	v1 =	vmov v9;
	v5 =	vld [tilespmem:s28+$0x20];
	[tilespmem:s22+$0x1CE0 ss:$0x21] =	vst.msk $0xffff, v6  }
0x59: {  	v2 =	vmov v7;
	v6 =	vld [tilespmem:s28+$0x30];
	[tilespmem:s22+$0x1EF0 ss:$0x21] =	vst.msk $0xffff, v8;
	s22 =	sadd.s32 s29, s21  }
0x5a: {  	v3 =	vmov v10;
	v9 =	vld [tilespmem:s28+$0x40];
	[tilespmem:s22+$0x1080 ss:$0x21] =	vst.msk $0xffff, v11  }
0x5b: {  	[tilespmem:s22+$0x0 ss:$0x21] =	vst.msk $0xffff, v12;
	v10 =	vld [tilespmem:s28+$0x50]  }
.Ltmp3:
0x5c: {  	[tilespmem:s22+$0x210 ss:$0x21] =	vst.msk $0xffff, v4;
	v8 =	vld [tilespmem:s28+$0x60];
	(pc) =	sbr.rel @p1 .LBB1_3-.Ltmp3, $4  }
0x5d: {  	[tilespmem:s22+$0x420 ss:$0x21] =	vst.msk $0xffff, v5;
	v7 =	vld [tilespmem:s28+$0x70]  }
0x5e: {  	[tilespmem:s22+$0x630 ss:$0x21] =	vst.msk $0xffff, v6;
	v4 =	vld.idx.msk [tilespmem:v0+s23+$0x440 ss:$0x1], $0xffff  }
0x5f: {  	s26 =	sadd.s32 $0x80, s26;
	s25 =	sadd.s32 $0x100, s25;
	[tilespmem:s22+$0x840 ss:$0x21] =	vst.msk $0xffff, v9;
	v5 =	vld.idx.msk [tilespmem:v0+s23+$0x450 ss:$0x1], $0xffff  }
0x60: {  	s27 =	sadd.s32 $0x4, s27;
	s29 =	sand.u32 $0x380, s26;
	s28 =	sand.u32 $0x1800, s25;
	[tilespmem:s22+$0xA50 ss:$0x21] =	vst.msk $0xffff, v10;
	v6 =	vld.idx.msk [tilespmem:v0+s23+$0x460 ss:$0x1], $0xffff  }
0x61: {  	_ =	sdelay $0x3  }
0x62: {  	s25 =	sor.u32 s29, s28;
	v47 =	vld.idx.msk [tilespmem:v0+s23+$0x470 ss:$0x1], $0xffff  }
0x63: {  	[tilespmem:s22+$0xC60 ss:$0x21] =	vst.msk $0xffff, v8;
	v57 =	vld.idx.msk [tilespmem:v0+s25+$0x410 ss:$0x1], $0xffff  }
0x64: {  	[tilespmem:s22+$0x1290 ss:$0x21] =	vst.msk $0xffff, v1;
	v58 =	vld.idx.msk [tilespmem:v0+s25+$0x420 ss:$0x1], $0xffff  }
0x65: {  	[tilespmem:s22+$0x14A0 ss:$0x21] =	vst.msk $0xffff, v2;
	v59 =	vld.idx.msk [tilespmem:v0+s25+$0x430 ss:$0x1], $0xffff  }
0x66: {  	[tilespmem:s22+$0x16B0 ss:$0x21] =	vst.msk $0xffff, v3;
	v60 =	vld.idx.msk [tilespmem:v0+s25+$0x440 ss:$0x1], $0xffff  }
0x67: {  	s26 =	sand.u32 $0x80, s26;
	s27 =	sand.u32 $0x1B00, s25;
	[tilespmem:s22+$0xE70 ss:$0x21] =	vst.msk $0xffff, v7;
	v61 =	vld.idx.msk [tilespmem:v0+s25+$0x450 ss:$0x1], $0xffff  }
0x68: {  	s29 =	sshll.u32 s10, $0x3;
	s24 =	sshra.s32 s24, $0x2;
	v62 =	vld.idx.msk [tilespmem:v0+s25+$0x460 ss:$0x1], $0xffff;
	s20 =	sadd.s32 s27, s20;
	[tilespmem:s22+$0x18C0 ss:$0x21] =	vst.msk $0xffff, v4  }
0x69: {  	p1 =	sgt.s32 s11, $0xF;
	s31 =	sand.u32 $0xFFFFFC00, s29;
	v63 =	vld.idx.msk [tilespmem:v0+s25+$0x470 ss:$0x1], $0xffff;
	s23 =	sadd.s32 s26, s20;
	[tilespmem:s22+$0x1AD0 ss:$0x21] =	vst.msk $0xffff, v5  }
0x6a: {  	p2 =	sgt.s32 s10, $0x60;
	s29 =	sshra.s32 s11, $0x1F;
	s25 =	smul.u32 $0x186A00, s11;
	v48 =	vld [tilespmem:s23+$0x400];
	[tilespmem:s22+$0x1CE0 ss:$0x21] =	vst.msk $0xffff, v6  }
0x6b: {  	s26 =	sshll.u32 s9, $0x7;
	s20 =	sadd.s32 s24, s21;
	s24 =	sand.u32 s29, s11;
	v49 =	vld [tilespmem:s23+$0x0];
	[tilespmem:s22+$0x1EF0 ss:$0x21] =	vst.msk $0xffff, v47  }
0x6c: {  	s29 =	sshra.s32 s9, $0x1F;
	v50 =	vld [tilespmem:s23+$0x10];
	s30 =	sand.u32 $0xFFFFFC00, s26;
	s28 =	sand.u32 $0x380, s26;
	[tilespmem:s20+$0x1290 ss:$0x21] =	vst.msk $0xffff, v57  }
0x6d: {  	v51 =	vld [tilespmem:s23+$0x20];
	s27 =	sadd.s32 s31, s30;
	s22 =	smov.u32 s11;
	s31 =	sshra.s32 s10, $0x1F;
	[tilespmem:s20+$0x14A0 ss:$0x21] =	vst.msk $0xffff, v58  }
0x6e: {  	v52 =	vld [tilespmem:s23+$0x30];
	s21 =	sor.u32 s28, s27;
	s22 =	simm.s32 @!p1 $0xF;
	s28 =	sand.u32 s31, s10;
	[tilespmem:s20+$0x16B0 ss:$0x21] =	vst.msk $0xffff, v59  }
0x6f: {  	v53 =	vld [tilespmem:s23+$0x40];
	s27 =	smov.u32 s9;
	[tilespmem:s20+$0x18C0 ss:$0x21] =	vst.msk $0xffff, v60;
	s21 =	sshrl.u32 s21, $0x7;
	s22 =	ssub.s32 s22, s24  }
0x70: {  	v54 =	vld [tilespmem:s23+$0x50];
	[tilespmem:s20+$0x1AD0 ss:$0x21] =	vst.msk $0xffff, v61;
	s24 =	smov.u32 s10;
	s26 =	smulhi.u32 $0x14F8B59, s21;
	s30 =	sadd.s32 $0xFFFFFFF1, s22  }
0x71: {  	v55 =	vld [tilespmem:s23+$0x60];
	[tilespmem:s20+$0x1CE0 ss:$0x21] =	vst.msk $0xffff, v62;
	s24 =	simm.s32 @!p2 $0x60;
	p2 =	sgt.s32 s9, $0x185A0;
	s22 =	ssub.s32 $0x10, s22  }
0x72: {  	v56 =	vld [tilespmem:s23+$0x70];
	[tilespmem:s20+$0x1EF0 ss:$0x21] =	vst.msk $0xffff, v63;
	p1 =	sgt.s32 s30, $0x0;
	s23 =	ssub.s32 s24, s28;
	s27 =	simm.s32 @!p2 $0x185A0  }
0x73: {  	[tilespmem:s20+$0x1080 ss:$0x21] =	vst.msk $0xffff, v48;
	s24 =	sand.u32 s29, s9;
	s28 =	sand.u32 $0x7, s10;
	s26 =	sshrl.u32 s26, $0x9  }
0x74: {  	[tilespmem:s20+$0x0 ss:$0x21] =	vst.msk $0xffff, v49;
	s24 =	ssub.s32 s27, s24;
	s30 =	sadd.s32 $0xFFFFFFA0, s23;
	s22 =	simm.s32 @p1 $0x0  }
0x75: {  	[tilespmem:s20+$0x210 ss:$0x21] =	vst.msk $0xffff, v50;
	s23 =	ssub.s32 $0x80, s23;
	s27 =	sshrl.u32 s10, $0x3;
	p1 =	sgt.s32 s30, $0x1F  }
0x76: {  	[tilespmem:s20+$0x420 ss:$0x21] =	vst.msk $0xffff, v51;
	s26 =	smul.u32 $0x186A0, s26;
	s31 =	sadd.s32 $0xFFFE7A60, s24;
	s23 =	simm.s32 @p1 $0x0  }
0x77: {  	[tilespmem:s20+$0x630 ss:$0x21] =	vst.msk $0xffff, v52;
	s24 =	ssub.s32 $0x186A0, s24;
	p1 =	sgt.s32 s31, $0xFF;
	s22 =	smul.u32 s22, s23  }
.Ltmp4:
0x78: {  	[tilespmem:s20+$0x840 ss:$0x21] =	vst.msk $0xffff, v53;
	s24 =	simm.s32 @p1 $0x0;
	s21 =	ssub.s32 s21, s26;
	(pc) =	sbr.rel .LBB1_5-.Ltmp4, $4  }
0x79: {  	[tilespmem:s20+$0xA50 ss:$0x21] =	vst.msk $0xffff, v54;
	s23 =	sadd.s32 s3, s25;
	s22 =	smul.u32 s24, s22;
	s24 =	sand.u32 $0xF, s27  }
0x7a: {  	[tilespmem:s20+$0xC60 ss:$0x21] =	vst.msk $0xffff, v55;
	s29 =	sshll.u32 s28, $0x12;
	s21 =	sshll.u32 s21, $0x4;
	s23 =	sadd.s32 s24, s23  }
0x7b: {  	[tilespmem:s20+$0xE70 ss:$0x21] =	vst.msk $0xffff, v56;
	s31 =	sor.u32 $0x20, s29;
	s30 =	sand.u32 $0x3FFFFFFF, s22;
	s21 =	sadd.s32 s21, s23  }
0x7c: {  	[hbm4b:s21+s31] =	stream.strided.scatter [tilespmem:s19], [sflag:$0x2], s30, s8, s31, $0x10;
	[tilespmem:$0x8200] =	vst v63  }
.LBB1_6:
0x7d: {  	_ =	sfence.sel $0x180000  }
0x7e: {  	s2 =	simm.s32 $0x1;
	[bflag:$0x0] =	sbarrier.arrive $0xFFFF  }
0x7f: {  	s31 =	simm.s32 $0x2;
	[sflag:s2] =	ssyncpa.u1 $0x1  }
0x80: {  	[sflag:s31] =	ssyncpa.u1 $0x1  }
0x81: {  	p0 =	sne.s32 s1, $0x0;
	_ =	strace $0x9000004A  }
0x82: {  	s0 =	sadd.s32 @!p0 $0x100000, s0;
	[bflag:$0x2] =	sbarrier.arrive $0xFFFF  }
0x83: {  	[sflag:s0] =	ssyncadd.tile.s32 @!p0 $0x1;
	_ =	shalt  }
.Lfunc_end1:
_tile_overlayer_lowered:
.L_overlay_start_2:
0x84: {  	(tag) =	ssettag $0x2  }
0x85: {  	s0 =	rddreg [dreg:$0x0];
	s2 =	stileid.u32  }
0x86: {  	s1 =	rddreg [dreg:$0x1];
	p0 =	sne.s32 s2, $0x0  }
0x87: {  	s3 =	rddreg [dreg:$0x2];
	[bflag:$0x3] =	sbarrier.arrive $0xFFFF;
	s2 =	simm.s32 @!p0 $0x1C01  }
0x88: {  	[timem:s3], [sflag:s2] =	dma.local @!p0 [hbm:s0], s1  }
0x89: {  	s0 =	simm.s32 @!p0 $0x1  }
0x8a: {  	_ =	swait.ge @!p0 [sflag:s0], s1  }
0x8b: {  	s1 =	ssub.s32 @!p0 $0x0, s1;
	[sflag:s0] =	ssyncset.done @!p0 $0x0  }
0x8c: {  	[sflag:s0] =	ssyncadd.s32 @!p0 s1  }
0x8d: {  	[bflag:$0x3] =	sbarrier.arrive $0xFFFF  }
0x8e: {  	_ =	shalt  }

// kernel: sparse-core-data-format-call.cloned.1.call-start
scs
called_computation_lowered:
.L_overlay_start_0:
0x0: {  	s1 =	sld [smem:$0x3FD9]  }
0x1: {  	s2 =	sld [smem:$0x3FFE];
	_ =	sdelay $0x1  }
0x2: {  	s3 =	srdreg.scid  }
0x3: {  	s0 =	sand.u32 $0x1, s3  }
0x4: {  	s17 =	sshll.u32 s0, $0xA;
	s1 =	sadd.s32 s2, s1  }
0x5: {  	s1 =	sadd.s32 s1, s17  }
0x6: {  	[smem:$0x3FBD] =	sst s1  }
0x7: {  	_ = 	snop  }
0x8: {  	(tm) =	ssettm $0x1  }
0x9: {  	s18 =	sld [smem:$0x3FFB];
	_ =	sdelay $0x3  }
0xa: {  	_ =	strace s18  }
0xb: {  	s1 =	sld [smem:$0x3FFC];
	_ =	sdelay $0x3  }
0xc: {  	_ =	strace s1  }
0xd: {  	s1 =	sld [smem:$0x3FFD];
	_ =	sdelay $0x3  }
0xe: {  	_ =	strace s1  }
0xf: {  	_ =	strace $0x8FFFFFFF  }
0x10: {  	s19 =	sld [smem:$0x3FDB];
	_ =	sdelay $0x1  }
0x11: {  	s20 =	simm.s32 $_scs_section_size  }
0x12: {  	s4 =	simm.s32 $_size__tile_overlayer_lowered;
	s5 =	simm.s32 $_tile_overlayer_lowered  }
0x13: {  	s23 =	simm.s32 $0x1BFF;
	s22 =	sshll.u32 s5, $0x1;
	s1 =	sadd.s32 s20, s19  }
0x14: {  	s6 =	simm.s32 $0x0;
	s21 =	sshll.u32 s4, $0x1;
	s4 =	sadd.s32 s22, s1  }
0x15: {  	[timem:s6], [sflag:s23] =	dma.local [hbm:s4], s21  }
0x16: {  	_ =	swait.ge [sflag:s23], s21  }
0x17: {  	s2 =	ssub.s32 $0x0, s21;
	[sflag:s23] =	ssyncset.done $0x0  }
0x18: {  	[sflag:s23] =	ssyncadd.s32 s2;
	_ =	sdelay $0x1  }
0x19: {  	s24 =	simm.s32 $0x1B8B  }
0x1a: {  	_ =	swait.ge [sflag:s24], $0x1  }
0x1b: {  	[sflag:s24] =	ssyncset.done $0x0  }
0x1c: {  	s26 =	simm.s32 $0x1B8E;
	s25 =	sld [smem:$0x3FFE];
	[sflag:s24] =	ssyncadd.s32 $0xFFFFFFFF  }
0x1d: {  	s27 =	simm.s32 $execute0_lowered;
	[smem:$0x3FD2] =	sst s26  }
0x1e: {  	s4 =	sshll.u32 s27, $0x1;
	_ =	strace $0x80000046;
	[dreg:$0x1] =	wrdreg $0xFFFFFFFF  }
0x1f: {  	s28 =	simm.s32 $_size_execute0_lowered;
	s1 =	sadd.s32 s1, s4;
	[dreg:$0x0] =	wrdreg $0x0  }
0x20: {  	s4 =	sshll.u32 s28, $0x1;
	[dreg:$0x2] =	wrdreg s1  }
0x21: {  	[dreg:$0x3] =	wrdreg s4  }
0x22: {  	[dreg:$0x4] =	wrdreg $0xC0  }
0x23: {  	_ =	task [dreg:s6], $0x5FFFF  }
0x24: {  	[dreg:$0x1] =	wrdreg $0xFFFFFFFF  }
0x25: {  	[dreg:$0x0] =	wrdreg $0x60  }
0x26: {  	[dreg:$0x2] =	wrdreg s25  }
0x27: {  	[dreg:$0x3] =	wrdreg $0xA  }
0x28: {  	_ =	task.clear_ibuf [dreg:s6], $0x4FFFF;
	_ =	strace $0x90000046  }
0x29: {  	s29 =	simm.s32 $0xA;
	_ =	strace $0x80000048  }
0x2a: {  	_ =	swait.ge [sflag:s29], $0x1  }
0x2b: {  	[sflag:s29] =	ssyncadd.s32 $0xFFFFFFFF  }
0x2c: {  	_ =	strace $0x90000048  }
0x2d: {  	_ =	sfence  }
0x2e: {  	s30 =	sld [smem:$0x0];
	_ =	sdelay $0x2  }
0x2f: {  	s31 =	sshll.u32 s3, $0xD;
	s3 =	sshrl.u32 s3, $0x2  }
0x30: {  	s2 =	sand.u32 $0x4000, s31;
	s1 =	sadd.s32 s3, s30  }
0x31: {  	s0 =	sor.u32 s2, s0;
	s1 =	sshll.u32 s1, $0x11  }
0x32: {  	s0 =	sor.u32 s1, s0  }
0x33: {  	s0 =	sadd.s32 $0x8F2B, s0  }
0x34: {  	[sflag:s0] =	ssyncadd.remote.s32 $0x1  }
0x35: {  	_ =	sfence.sel $0xFFFF  }
0x36: {  	[dreg:$0x0] =	wrdreg $0xFFFFFFFF;
	(pc) =	sbr.abs _section_cstart, $3  }
0x37: {  	[dreg:$0x1] =	wrdreg $0xFFFFFFFF  }
0x38: {  	_ =	task.clear_ibuf [dreg:s6], $0x2FFFF;
	_ =	strace $0x9FFFFFFF  }
0x39: {  	(tm) =	ssettm $0x7FFFFFFF  }
tec
execute0_lowered:
.L_overlay_start_1:
0x0: {  	(tag) =	ssettag $0x1  }
0x1: {  	s0 =	srdreg.scid;
	s5 =	rddreg [dreg:$0x0];
	s6 =	simm.s32 $0x2  }
0x2: {  	s16 =	simm.s32 $0x0;
	p0 =	por $0x0, $0x0;
	s8 =	simm.s32 $0x80  }
0x3: {  	s17 =	simm.s32 $0x0;
	s18 =	simm.s32 $0x0;
	s1 =	sshll.u32 s0, $0x4  }
0x4: {  	s9 =	simm.s32 $0x0;
	s0 =	stileid.u32;
	s1 =	sand.u32 $0x10, s1  }
0x5: {  	s10 =	simm.s32 $0x0;
	s11 =	simm.s32 $0x0;
	s1 =	sor.u32 s0, s1  }
0x6: {  	s13 =	simm.s32 $0x0;
	s14 =	simm.s32 $0x0;
	s2 =	sshll.u32 s1, $0x8  }
.Ltmp0:
0x7: {  	s15 =	simm.s32 $0x0;
	s3 =	ssub.s32 $0x18600, s2;
	(pc) =	sbr.rel .LBB1_1-.Ltmp0, $4  }
0x8: {  	s1 =	rddreg [dreg:$0x1];
	_ =	strace $0x80000047;
	s4 =	sshrl.u32 s3, $0xD  }
0x9: {  	s12 =	smov.u32 s2;
	s3 =	simm.s32 $0x1;
	s7 =	smul.u32 $0xA, s4  }
0xa: {  	s4 =	sadd.s32 $0x2C00, s5;
	[sflag:s3] =	ssyncpa.u1 $0x0;
	s5 =	sadd.s32 $0x3D4400, s5  }
0xb: {  	[sflag:s6] =	ssyncpa.u1 $0x0;
	s6 =	sadd.s32 $0xA, s7;
	s7 =	sadd.s32 $0xB, s7  }
.LBB1_5:
0xc: {  	p1 =	slt.u32 s15, $0x2  }
0xd: {  	s19 =	smov.u32 s18;
	p2 =	sgt.s32 @!p1 s18, $0x9  }
0xe: {  	s20 =	sshra.s32 @!p1 s18, $0x1F;
	p3 =	sgt.s32 @!p1 s16, $0x185A0;
	p4 =	sgt.s32 @!p1 s17, $0x60  }
0xf: {  	s21 =	sshra.s32 @!p1 s17, $0x1F;
	p2 =	por !p2, p1;
	s18 =	sand.u32 @!p1 s20, s18  }
0x10: {  	p4 =	por !p4, p1;
	s20 =	smov.u32 s17;
	s19 =	simm.s32 @p2 $0x9  }
0x11: {  	s17 =	sand.u32 @!p1 s21, s17;
	s20 =	simm.s32 @p4 $0x60;
	s18 =	ssub.s32 @!p1 s19, s18  }
0x12: {  	p3 =	por !p3, p1;
	s17 =	ssub.s32 @!p1 s20, s17;
	s19 =	sadd.s32 @!p1 $0xFFFFFFF7, s18  }
0x13: {  	s20 =	sshra.s32 @!p1 s16, $0x1F;
	s18 =	ssub.s32 @!p1 $0xA, s18;
	p2 =	sgt.s32 @!p1 s19, $0x0  }
0x14: {  	s19 =	smov.u32 s16;
	s16 =	sand.u32 @!p1 s20, s16;
	s20 =	sadd.s32 @!p1 $0xFFFFFFA0, s17  }
0x15: {  	s17 =	ssub.s32 @!p1 $0x80, s17;
	s19 =	simm.s32 @p3 $0x185A0;
	p2 =	por !p2, p1  }
0x16: {  	s18 =	simm.s32 @!p2 $0x0;
	s16 =	ssub.s32 @!p1 s19, s16;
	p2 =	sgt.s32 @!p1 s20, $0x1F  }
0x17: {  	s20 =	smov.u32 s13;
	s19 =	sadd.s32 @!p1 $0xFFFE7A60, s16;
	p2 =	por !p2, p1  }
0x18: {  	s16 =	ssub.s32 @!p1 $0x186A0, s16;
	s17 =	simm.s32 @!p2 $0x0;
	p2 =	sgt.s32 @!p1 s19, $0xFF  }
0x19: {  	s19 =	sadd.s32 $0x2000, s12;
	p2 =	por !p2, p1;
	s17 =	smul.u32 @!p1 s18, s17  }
0x1a: {  	s18 =	sadd.s32 $0x20, s13;
	s16 =	simm.s32 @!p2 $0x0;
	p2 =	sgt.s32 s19, $0x1869F  }
0x1b: {  	s16 =	smul.u32 @!p1 s16, s17;
	s20 =	smov.u32 @p2 s18  }
0x1c: {  	s19 =	smov.u32 @p2 s2;
	s17 =	simm.s32 $0x1;
	p2 =	sgt.s32 s20, $0x1F  }
0x1d: {  	s17 =	simm.s32 @!p2 $0x0  }
0x1e: {  	p0 =	por !p0, !p0;
	s23 =	sadd.s32 s17, s14  }
0x1f: {  	s21 =	simm.s32 @!p1 $0x2;
	s20 =	simm.s32 @p2 $0x0;
	p2 =	sgt.s32 s23, $0x9  }
0x20: {  	s18 =	smov.u32 s11;
	s23 =	simm.s32 @p2 $0x0;
	p2 =	sne.s32 s15, s7  }
.Ltmp1:
0x21: {  	s11 =	smov.u32 s14;
	s16 =	sand.u32 @!p1 $0x3FFFFFFF, s16;
	(pc) =	sbr.rel @!p2 .LBB1_6-.Ltmp1, $4  }
0x22: {  	_ =	swait.ge @!p1 [sflag:s21], s16;
	s22 =	ssub.s32 @!p1 $0x0, s16;
	s16 =	smov.u32 s9  }
0x23: {  	s17 =	smov.u32 s10;
	s9 =	smov.u32 s12;
	s10 =	smov.u32 s13  }
0x24: {  	s12 =	smov.u32 s19;
	s13 =	smov.u32 s20;
	[sflag:s21] =	ssyncset.done @!p1 $0x0  }
0x25: {  	s15 =	sadd.s32 $0x1, s15;
	[sflag:s21] =	ssyncadd.s32 @!p1 s22;
	s14 =	smov.u32 s23  }
.LBB1_1:
0x26: {  	p1 =	sge.u32 s15, s6  }
0x27: {  	s19 =	sshrl.u32 @!p1 s13, $0x3  }
0x28: {  	s20 =	sshll.u32 @!p1 s12, $0x3;
	s19 =	smul.u32 @!p1 $0xC3800, s19  }
0x29: {  	s21 =	sshll.u32 @!p1 s13, $0x7;
	s20 =	sand.u32 @!p1 $0xFFFFFC00, s20  }
0x2a: {  	s19 =	sadd.s32 @!p1 s19, s20;
	s20 =	sand.u32 @!p1 $0x380, s21  }
0x2b: {  	s21 =	sand.u32 @!p1 $0x7F, s12;
	s19 =	sor.u32 @!p1 s20, s19  }
0x2c: {  	s20 =	sor.u32 @!p1 s21, s19  }
0x2d: {  	s21 =	smulhi.u32 @!p1 $0xA79C7B17, s20  }
0x2e: {  	s19 =	smulhi.u32 @!p1 $0xA79C7B17, s19  }
0x2f: {  	s21 =	sshrl.u32 @!p1 s21, $0x10  }
0x30: {  	s19 =	sshrl.u32 @!p1 s19, $0x10;
	s21 =	smul.u32 @!p1 $0x18700, s21  }
0x31: {  	s22 =	sxor.u32 @!p1 $0xFFFFFFFF, s15;
	s23 =	smul.u32 @!p1 $0x61C00, s14;
	s19 =	sand.u32 @!p1 $0x1F, s19  }
0x32: {  	s22 =	sshll.u32 @!p1 s22, $0xD;
	s19 =	smul.u32 @!p1 $0x30E0, s19;
	s20 =	ssub.s32 @!p1 s20, s21  }
0x33: {  	s21 =	sand.u32 @!p1 $0x2000, s22;
	s22 =	sadd.s32 @!p1 s4, s23;
	s23 =	sand.u32 @!p1 $0x7, s20  }
0x34: {  	s20 =	sshrl.u32 @!p1 s20, $0x3;
	s19 =	sadd.s32 @!p1 s19, s22;
	s22 =	sshll.u32 @!p1 s23, $0x12  }
0x35: {  	s19 =	sadd.s32 @!p1 s20, s19;
	s20 =	sor.u32 @!p1 $0x800, s22;
	s22 =	simm.s32 @!p1 $0xC3800  }
0x36: {  	[tilespmem:s21], [sflag:$0x1] =	stream.strided.gather @!p1 [hbm4b:s19+s20], $0x2000, s22, s20, $0x38;
	[tilespmem:$0x8200] =	vst v63  }
0x37: {  	p1 =	seq.s32 s15, $0x0  }
0x38: {  	p2 =	sge.u32 @!p1 s15, s7  }
0x39: {  	p1 =	por p1, p2  }
.Ltmp2:
0x3a: {  	_ = 	snop;
	(pc) =	sbr.rel @p1 .LBB1_5-.Ltmp2, $1  }
0x3b: {  	_ =	sdelay $0x3  }
0x3c: {  	s21 =	simm.s32 $0x0  }
0x3d: {  	s22 =	sand.u32 $0x1800, s21;
	s23 =	sand.u32 $0x380, s21  }
0x3e: {  	s19 =	sand.u32 $0x1, s15;
	s23 =	sor.u32 s23, s22  }
0x3f: {  	_ =	swait.ge [sflag:s3], $0x2000;
	s20 =	sshll.u32 s19, $0xD;
	s22 =	sand.u32 $0x1B00, s23  }
0x40: {  	[sflag:s3] =	ssyncset.done $0x0;
	s21 =	sand.u32 $0x80, s21;
	s22 =	sadd.s32 s22, s20  }
0x41: {  	[sflag:s3] =	ssyncadd.s32 $0xFFFFE000;
	s25 =	sadd.s32 s21, s22  }
0x42: {  	v4 =	vld [tilespmem:s25+$0x400]  }
0x43: {  	s24 =	simm.s32 $0x1;
	v5 =	vld [tilespmem:s25+$0x0]  }
0x44: {  	s24 =	simm.s32 @!p0 $0x0;
	v6 =	vld [tilespmem:s25+$0x10]  }
0x45: {  	v0 =	vmov s20;
	s31 =	smul.u32 $0x8400, s24;
	v7 =	vld [tilespmem:s25+$0x20]  }
0x46: {  	v9 =	vld [tilespmem:s25+$0x30]  }
0x47: {  	s21 =	sshrl.u32 s31, $0x2;
	v10 =	vld [tilespmem:s25+$0x40]  }
0x48: {  	s21 =	sor.u32 $0x4000, s21;
	v11 =	vld [tilespmem:s25+$0x50]  }
0x49: {  	v8 =	vld [tilespmem:s25+$0x60];
	s22 =	sadd.s32 $0x0, s21  }
0x4a: {  	v1 =	vld.idx.msk [tilespmem:v0+s23+$0x410 ss:$0x1], $0xffff;
	[tilespmem:s22+$0x1080 ss:$0x21] =	vst.msk $0xffff, v4  }
0x4b: {  	v2 =	vld.idx.msk [tilespmem:v0+s23+$0x420 ss:$0x1], $0xffff;
	[tilespmem:s22+$0x0 ss:$0x21] =	vst.msk $0xffff, v5  }
0x4c: {  	v3 =	vld.idx.msk [tilespmem:v0+s23+$0x430 ss:$0x1], $0xffff;
	[tilespmem:s22+$0x210 ss:$0x21] =	vst.msk $0xffff, v6  }
0x4d: {  	s19 =	smul.u32 $0x8400, s19;
	[tilespmem:s22+$0x420 ss:$0x21] =	vst.msk $0xffff, v7;
	v7 =	vld [tilespmem:s25+$0x70]  }
0x4e: {  	s26 =	simm.s32 $0x80;
	s27 =	simm.s32 $0x8;
	[tilespmem:s22+$0x630 ss:$0x21] =	vst.msk $0xffff, v9;
	v4 =	vld.idx.msk [tilespmem:v0+s23+$0x440 ss:$0x1], $0xffff  }
0x4f: {  	s29 =	sand.u32 $0x380, s26;
	s19 =	sshrl.u32 s19, $0x2;
	[tilespmem:s22+$0x840 ss:$0x21] =	vst.msk $0xffff, v10;
	v5 =	vld.idx.msk [tilespmem:v0+s23+$0x450 ss:$0x1], $0xffff;
	s25 =	simm.s32 $0x100  }
0x50: {  	s24 =	simm.s32 $0x4;
	s19 =	sor.u32 $0x4000, s19;
	[tilespmem:s22+$0xA50 ss:$0x21] =	vst.msk $0xffff, v11;
	v6 =	vld.idx.msk [tilespmem:v0+s23+$0x460 ss:$0x1], $0xffff;
	s28 =	sand.u32 $0x1800, s25  }
.LBB1_3:
0x51: {  	p1 =	sne.s32 s27, $0x7C;
	[tilespmem:s22+$0xC60 ss:$0x21] =	vst.msk $0xffff, v8;
	v8 =	vld.idx.msk [tilespmem:v0+s23+$0x470 ss:$0x1], $0xffff;
	s23 =	sor.u32 s29, s28  }
0x52: {  	s28 =	sand.u32 $0x1B00, s23;
	v9 =	vld.idx.msk [tilespmem:v0+s23+$0x410 ss:$0x1], $0xffff;
	[tilespmem:s22+$0xE70 ss:$0x21] =	vst.msk $0xffff, v7  }
0x53: {  	s29 =	sand.u32 $0x80, s26;
	s28 =	sadd.s32 s28, s20;
	v7 =	vld.idx.msk [tilespmem:v0+s23+$0x420 ss:$0x1], $0xffff;
	[tilespmem:s22+$0x1290 ss:$0x21] =	vst.msk $0xffff, v1  }
0x54: {  	s28 =	sadd.s32 s29, s28;
	v10 =	vld.idx.msk [tilespmem:v0+s23+$0x430 ss:$0x1], $0xffff;
	[tilespmem:s22+$0x14A0 ss:$0x21] =	vst.msk $0xffff, v2  }
0x55: {  	v11 =	vld [tilespmem:s28+$0x400];
	[tilespmem:s22+$0x16B0 ss:$0x21] =	vst.msk $0xffff, v3  }
0x56: {  	v12 =	vld [tilespmem:s28+$0x0];
	[tilespmem:s22+$0x18C0 ss:$0x21] =	vst.msk $0xffff, v4  }
0x57: {  	v4 =	vld [tilespmem:s28+$0x10];
	[tilespmem:s22+$0x1AD0 ss:$0x21] =	vst.msk $0xffff, v5  }
0x58: {  	s29 =	sshra.s32 s24, $0x2;
	s24 =	smov.u32 s27;
	v1 =	vmov v9;
	v5 =	vld [tilespmem:s28+$0x20];
	[tilespmem:s22+$0x1CE0 ss:$0x21] =	vst.msk $0xffff, v6  }
0x59: {  	v2 =	vmov v7;
	v6 =	vld [tilespmem:s28+$0x30];
	[tilespmem:s22+$0x1EF0 ss:$0x21] =	vst.msk $0xffff, v8;
	s22 =	sadd.s32 s29, s21  }
0x5a: {  	v3 =	vmov v10;
	v9 =	vld [tilespmem:s28+$0x40];
	[tilespmem:s22+$0x1080 ss:$0x21] =	vst.msk $0xffff, v11  }
0x5b: {  	[tilespmem:s22+$0x0 ss:$0x21] =	vst.msk $0xffff, v12;
	v10 =	vld [tilespmem:s28+$0x50]  }
.Ltmp3:
0x5c: {  	[tilespmem:s22+$0x210 ss:$0x21] =	vst.msk $0xffff, v4;
	v8 =	vld [tilespmem:s28+$0x60];
	(pc) =	sbr.rel @p1 .LBB1_3-.Ltmp3, $4  }
0x5d: {  	[tilespmem:s22+$0x420 ss:$0x21] =	vst.msk $0xffff, v5;
	v7 =	vld [tilespmem:s28+$0x70]  }
0x5e: {  	[tilespmem:s22+$0x630 ss:$0x21] =	vst.msk $0xffff, v6;
	v4 =	vld.idx.msk [tilespmem:v0+s23+$0x440 ss:$0x1], $0xffff  }
0x5f: {  	s26 =	sadd.s32 $0x80, s26;
	s25 =	sadd.s32 $0x100, s25;
	[tilespmem:s22+$0x840 ss:$0x21] =	vst.msk $0xffff, v9;
	v5 =	vld.idx.msk [tilespmem:v0+s23+$0x450 ss:$0x1], $0xffff  }
0x60: {  	s27 =	sadd.s32 $0x4, s27;
	s29 =	sand.u32 $0x380, s26;
	s28 =	sand.u32 $0x1800, s25;
	[tilespmem:s22+$0xA50 ss:$0x21] =	vst.msk $0xffff, v10;
	v6 =	vld.idx.msk [tilespmem:v0+s23+$0x460 ss:$0x1], $0xffff  }
0x61: {  	_ =	sdelay $0x3  }
0x62: {  	s25 =	sor.u32 s29, s28;
	v47 =	vld.idx.msk [tilespmem:v0+s23+$0x470 ss:$0x1], $0xffff  }
0x63: {  	[tilespmem:s22+$0xC60 ss:$0x21] =	vst.msk $0xffff, v8;
	v57 =	vld.idx.msk [tilespmem:v0+s25+$0x410 ss:$0x1], $0xffff  }
0x64: {  	[tilespmem:s22+$0x1290 ss:$0x21] =	vst.msk $0xffff, v1;
	v58 =	vld.idx.msk [tilespmem:v0+s25+$0x420 ss:$0x1], $0xffff  }
0x65: {  	[tilespmem:s22+$0x14A0 ss:$0x21] =	vst.msk $0xffff, v2;
	v59 =	vld.idx.msk [tilespmem:v0+s25+$0x430 ss:$0x1], $0xffff  }
0x66: {  	[tilespmem:s22+$0x16B0 ss:$0x21] =	vst.msk $0xffff, v3;
	v60 =	vld.idx.msk [tilespmem:v0+s25+$0x440 ss:$0x1], $0xffff  }
0x67: {  	s26 =	sand.u32 $0x80, s26;
	s27 =	sand.u32 $0x1B00, s25;
	[tilespmem:s22+$0xE70 ss:$0x21] =	vst.msk $0xffff, v7;
	v61 =	vld.idx.msk [tilespmem:v0+s25+$0x450 ss:$0x1], $0xffff  }
0x68: {  	s29 =	sshll.u32 s10, $0x3;
	s24 =	sshra.s32 s24, $0x2;
	v62 =	vld.idx.msk [tilespmem:v0+s25+$0x460 ss:$0x1], $0xffff;
	s20 =	sadd.s32 s27, s20;
	[tilespmem:s22+$0x18C0 ss:$0x21] =	vst.msk $0xffff, v4  }
0x69: {  	p1 =	sgt.s32 s11, $0x9;
	s31 =	sand.u32 $0xFFFFFC00, s29;
	v63 =	vld.idx.msk [tilespmem:v0+s25+$0x470 ss:$0x1], $0xffff;
	s23 =	sadd.s32 s26, s20;
	[tilespmem:s22+$0x1AD0 ss:$0x21] =	vst.msk $0xffff, v5  }
0x6a: {  	p2 =	sgt.s32 s10, $0x60;
	s29 =	sshra.s32 s11, $0x1F;
	s25 =	smul.u32 $0x186A00, s11;
	v48 =	vld [tilespmem:s23+$0x400];
	[tilespmem:s22+$0x1CE0 ss:$0x21] =	vst.msk $0xffff, v6  }
0x6b: {  	s26 =	sshll.u32 s9, $0x7;
	s20 =	sadd.s32 s24, s21;
	s24 =	sand.u32 s29, s11;
	v49 =	vld [tilespmem:s23+$0x0];
	[tilespmem:s22+$0x1EF0 ss:$0x21] =	vst.msk $0xffff, v47  }
0x6c: {  	s29 =	sshra.s32 s9, $0x1F;
	v50 =	vld [tilespmem:s23+$0x10];
	s30 =	sand.u32 $0xFFFFFC00, s26;
	s28 =	sand.u32 $0x380, s26;
	[tilespmem:s20+$0x1290 ss:$0x21] =	vst.msk $0xffff, v57  }
0x6d: {  	v51 =	vld [tilespmem:s23+$0x20];
	s27 =	sadd.s32 s31, s30;
	s22 =	smov.u32 s11;
	s31 =	sshra.s32 s10, $0x1F;
	[tilespmem:s20+$0x14A0 ss:$0x21] =	vst.msk $0xffff, v58  }
0x6e: {  	v52 =	vld [tilespmem:s23+$0x30];
	s21 =	sor.u32 s28, s27;
	s22 =	simm.s32 @!p1 $0x9;
	s28 =	sand.u32 s31, s10;
	[tilespmem:s20+$0x16B0 ss:$0x21] =	vst.msk $0xffff, v59  }
0x6f: {  	v53 =	vld [tilespmem:s23+$0x40];
	s27 =	smov.u32 s9;
	[tilespmem:s20+$0x18C0 ss:$0x21] =	vst.msk $0xffff, v60;
	s21 =	sshrl.u32 s21, $0x7;
	s22 =	ssub.s32 s22, s24  }
0x70: {  	v54 =	vld [tilespmem:s23+$0x50];
	[tilespmem:s20+$0x1AD0 ss:$0x21] =	vst.msk $0xffff, v61;
	s24 =	smov.u32 s10;
	s26 =	smulhi.u32 $0x14F8B59, s21;
	s30 =	sadd.s32 $0xFFFFFFF7, s22  }
0x71: {  	v55 =	vld [tilespmem:s23+$0x60];
	[tilespmem:s20+$0x1CE0 ss:$0x21] =	vst.msk $0xffff, v62;
	s24 =	simm.s32 @!p2 $0x60;
	p2 =	sgt.s32 s9, $0x185A0;
	s22 =	ssub.s32 $0xA, s22  }
0x72: {  	v56 =	vld [tilespmem:s23+$0x70];
	[tilespmem:s20+$0x1EF0 ss:$0x21] =	vst.msk $0xffff, v63;
	p1 =	sgt.s32 s30, $0x0;
	s23 =	ssub.s32 s24, s28;
	s27 =	simm.s32 @!p2 $0x185A0  }
0x73: {  	[tilespmem:s20+$0x1080 ss:$0x21] =	vst.msk $0xffff, v48;
	s24 =	sand.u32 s29, s9;
	s28 =	sand.u32 $0x7, s10;
	s26 =	sshrl.u32 s26, $0x9  }
0x74: {  	[tilespmem:s20+$0x0 ss:$0x21] =	vst.msk $0xffff, v49;
	s24 =	ssub.s32 s27, s24;
	s30 =	sadd.s32 $0xFFFFFFA0, s23;
	s22 =	simm.s32 @p1 $0x0  }
0x75: {  	[tilespmem:s20+$0x210 ss:$0x21] =	vst.msk $0xffff, v50;
	s23 =	ssub.s32 $0x80, s23;
	s27 =	sshrl.u32 s10, $0x3;
	p1 =	sgt.s32 s30, $0x1F  }
0x76: {  	[tilespmem:s20+$0x420 ss:$0x21] =	vst.msk $0xffff, v51;
	s26 =	smul.u32 $0x186A0, s26;
	s31 =	sadd.s32 $0xFFFE7A60, s24;
	s23 =	simm.s32 @p1 $0x0  }
0x77: {  	[tilespmem:s20+$0x630 ss:$0x21] =	vst.msk $0xffff, v52;
	s24 =	ssub.s32 $0x186A0, s24;
	p1 =	sgt.s32 s31, $0xFF;
	s22 =	smul.u32 s22, s23  }
.Ltmp4:
0x78: {  	[tilespmem:s20+$0x840 ss:$0x21] =	vst.msk $0xffff, v53;
	s24 =	simm.s32 @p1 $0x0;
	s21 =	ssub.s32 s21, s26;
	(pc) =	sbr.rel .LBB1_5-.Ltmp4, $4  }
0x79: {  	[tilespmem:s20+$0xA50 ss:$0x21] =	vst.msk $0xffff, v54;
	s23 =	sadd.s32 s5, s25;
	s22 =	smul.u32 s24, s22;
	s24 =	sand.u32 $0xF, s27  }
0x7a: {  	[tilespmem:s20+$0xC60 ss:$0x21] =	vst.msk $0xffff, v55;
	s29 =	sshll.u32 s28, $0x12;
	s21 =	sshll.u32 s21, $0x4;
	s23 =	sadd.s32 s24, s23  }
0x7b: {  	[tilespmem:s20+$0xE70 ss:$0x21] =	vst.msk $0xffff, v56;
	s31 =	sor.u32 $0x20, s29;
	s30 =	sand.u32 $0x3FFFFFFF, s22;
	s21 =	sadd.s32 s21, s23  }
0x7c: {  	[hbm4b:s21+s31] =	stream.strided.scatter [tilespmem:s19], [sflag:$0x2], s30, s8, s31, $0x10;
	[tilespmem:$0x8200] =	vst v63  }
.LBB1_6:
0x7d: {  	_ =	sfence.sel $0x180000  }
0x7e: {  	s2 =	simm.s32 $0x1;
	[bflag:$0x0] =	sbarrier.arrive $0xFFFF  }
0x7f: {  	s31 =	simm.s32 $0x2;
	[sflag:s2] =	ssyncpa.u1 $0x1  }
0x80: {  	[sflag:s31] =	ssyncpa.u1 $0x1  }
0x81: {  	p0 =	sne.s32 s0, $0x0;
	_ =	strace $0x90000047  }
0x82: {  	s0 =	sadd.s32 @!p0 $0x100000, s1;
	[bflag:$0x2] =	sbarrier.arrive $0xFFFF  }
0x83: {  	[sflag:s0] =	ssyncadd.tile.s32 @!p0 $0x1;
	_ =	shalt  }
.Lfunc_end1:
_tile_overlayer_lowered:
.L_overlay_start_2:
0x84: {  	(tag) =	ssettag $0x2  }
0x85: {  	s0 =	rddreg [dreg:$0x0];
	s2 =	stileid.u32  }
0x86: {  	s1 =	rddreg [dreg:$0x1];
	p0 =	sne.s32 s2, $0x0  }
0x87: {  	s3 =	rddreg [dreg:$0x2];
	[bflag:$0x3] =	sbarrier.arrive $0xFFFF;
	s2 =	simm.s32 @!p0 $0x1C01  }
0x88: {  	[timem:s3], [sflag:s2] =	dma.local @!p0 [hbm:s0], s1  }
0x89: {  	s0 =	simm.s32 @!p0 $0x1  }
0x8a: {  	_ =	swait.ge @!p0 [sflag:s0], s1  }
0x8b: {  	s1 =	ssub.s32 @!p0 $0x0, s1;
	[sflag:s0] =	ssyncset.done @!p0 $0x0  }
0x8c: {  	[sflag:s0] =	ssyncadd.s32 @!p0 s1  }
0x8d: {  	[bflag:$0x3] =	sbarrier.arrive $0xFFFF  }
0x8e: {  	_ =	shalt  }

</sc_bundles>
